<compile_context>
chip_gen: v7x
topology: tpu7x:2x2x1
jax: 0.10.2.dev20260603
libtpu: 0.0.44.dev20260713+nightly
codegen_flags: <defaults>
</compile_context>

<pallas_src>
import functools

import jax
import jax.numpy as jnp
from jax import lax
from jax.experimental import pallas as pl
from jax.experimental.pallas import tpu as pltpu
from jax.experimental.pallas import tpu_sc as plsc

BATCH = 16384
EMBED_DIM = 128
NUM_WORKERS = 32
PAIRS_PER_WORKER = BATCH // NUM_WORKERS
CHUNK = 64
NUM_CHUNKS = PAIRS_PER_WORKER // CHUNK
IDX_ROWS_PER_WORKER = PAIRS_PER_WORKER // CHUNK


def _sc_kernel(data_hbm, user_table, item_table, out_hbm,
               dat_v, idx_u, idx_i, rows_u0, rows_u1, rows_i0, rows_i1, out_v,
               sem_u0, sem_u1, sem_i0, sem_i1):
    wid = lax.axis_index("s") * 2 + lax.axis_index("c")
    base = wid * PAIRS_PER_WORKER

    lane = lax.iota(jnp.int32, 16)
    groups_per_chunk = CHUNK // 16
    rot1 = jnp.bitwise_and(lane + 1, 15)

    pltpu.sync_copy(data_hbm.at[pl.ds(base, PAIRS_PER_WORKER)], dat_v)
    zero16 = jnp.zeros((16,), jnp.int32)
    one16 = zero16 + 1
    for k in range(PAIRS_PER_WORKER // 16):
        rvec = k * 16 + lane
        idx_u[pl.ds(k * 16, 16)] = plsc.load_gather(dat_v, [rvec, zero16])
        idx_i[pl.ds(k * 16, 16)] = plsc.load_gather(dat_v, [rvec, one16])

    bufs = [(rows_u0, rows_i0, sem_u0, sem_i0), (rows_u1, rows_i1, sem_u1, sem_i1)]

    def start(c, b):
        ru, ri, su, si = bufs[b]
        cu = pltpu.async_copy(
            user_table.at[idx_u.at[pl.ds(c * CHUNK, CHUNK)]], ru, su)
        ci = pltpu.async_copy(
            item_table.at[idx_i.at[pl.ds(c * CHUNK, CHUNK)]], ri, si)
        return cu, ci

    start(0, 0)
    start(1, 1)

    def compute_chunk(c, b):
        ru, ri, su, si = bufs[b]
        pltpu.make_async_copy(
            user_table.at[idx_u.at[pl.ds(0, CHUNK)]], ru, su).wait()
        pltpu.make_async_copy(
            item_table.at[idx_i.at[pl.ds(0, CHUNK)]], ri, si).wait()

        @plsc.parallel_loop(0, groups_per_chunk, unroll=1)
        def group_body(g):
            rowvec = g * 16 + lane
            zero = jnp.zeros((16,), jnp.float32)
            init = (zero, zero)

            @plsc.parallel_loop(0, EMBED_DIM // 16, carry=init, unroll=2)
            def m_loop(m, carry):
                a0, a1 = carry
                mvec = jnp.full((16,), m * 16, jnp.int32)
                d = lane
                for j in range(16):
                    col = d + mvec
                    u = plsc.load_gather(ru, [rowvec, col])
                    v = plsc.load_gather(ri, [rowvec, col])
                    if j % 2 == 0:
                        a0 = a0 + u * v
                    else:
                        a1 = a1 + u * v
                    if j != 15:
                        d = jnp.take_along_axis(d, rot1, axis=0)
                return (a0, a1)

            a0, a1 = m_loop
            res = a0 + a1
            out_v[pl.ds((c * groups_per_chunk + g) * 16, 16)] = (
                1.0 / (1.0 + jnp.exp(-res)))

        @pl.when(c + 2 < NUM_CHUNKS)
        def _():
            start(c + 2, b)

    def outer_body(o, carry):
        compute_chunk(o * 2, 0)
        compute_chunk(o * 2 + 1, 1)
        return carry

    lax.fori_loop(0, NUM_CHUNKS // 2, outer_body, 0)

    pltpu.sync_copy(
        out_v, out_hbm.at[pl.ds(wid * PAIRS_PER_WORKER, PAIRS_PER_WORKER)])


@functools.partial(jax.jit, static_argnums=())
def _run(data, user_table, item_table):
    mesh = plsc.VectorSubcoreMesh(core_axis_name="c", subcore_axis_name="s")
    f = pl.kernel(
        _sc_kernel,
        mesh=mesh,
        compiler_params=pltpu.CompilerParams(needs_layout_passes=False),
        out_type=jax.ShapeDtypeStruct((BATCH,), jnp.float32),
        scratch_types=[
            pltpu.VMEM((PAIRS_PER_WORKER, 2), jnp.int32),
            pltpu.VMEM((PAIRS_PER_WORKER,), jnp.int32),
            pltpu.VMEM((PAIRS_PER_WORKER,), jnp.int32),
            pltpu.VMEM((CHUNK, EMBED_DIM), jnp.float32),
            pltpu.VMEM((CHUNK, EMBED_DIM), jnp.float32),
            pltpu.VMEM((CHUNK, EMBED_DIM), jnp.float32),
            pltpu.VMEM((CHUNK, EMBED_DIM), jnp.float32),
            pltpu.VMEM((PAIRS_PER_WORKER,), jnp.float32),
            pltpu.SemaphoreType.DMA,
            pltpu.SemaphoreType.DMA,
            pltpu.SemaphoreType.DMA,
            pltpu.SemaphoreType.DMA,
        ],
    )
    return f(data, user_table, item_table)


def kernel(data, user_table, item_table):
    return _run(data, user_table, item_table)

# --- scband reference (transcript-rebuilt; emitter-appended) ---
"""Pipeline reference for scband-ultra-gcn-78125455114380 (READ-ONLY COPY).

The authoritative reference and input builder live on the scoring server;
editing this copy changes nothing except your own understanding.
"""

import jax, jax.numpy as jnp
import numpy as np

USER_NUM = 100000
ITEM_NUM = 100000
EMBED_DIM = 128
BATCH = 16384


def setup_inputs(seed: int = 0) -> dict:
    key = jax.random.key(seed)
    k1, k2, k3 = jax.random.split(key, 3)
    data = jax.random.randint(k1, (BATCH, 2), 0, USER_NUM, dtype=jnp.int64 if jax.config.jax_enable_x64 else jnp.int32).astype(jnp.int32)
    # xavier_normal init: std = sqrt(2 / (fan_in + fan_out))
    std = float(np.sqrt(2.0 / (USER_NUM + EMBED_DIM)))
    user_table = jax.random.normal(k2, (USER_NUM, EMBED_DIM), dtype=jnp.float32) * std
    item_table = jax.random.normal(k3, (ITEM_NUM, EMBED_DIM), dtype=jnp.float32) * std
    return {"data": data, "user_table": user_table, "item_table": item_table}


def reference(data, user_table, item_table):
    users = data[:, 0]
    items = data[:, 1]
    user_embeds = jnp.take(user_table, users, axis=0)
    item_embeds = jnp.take(item_table, items, axis=0)
    scores = jnp.sum(user_embeds * item_embeds, axis=-1)
    return jax.nn.sigmoid(scores)

if __name__ == "__main__":
    import jax
    _d = setup_inputs()
    print(jax.jit(kernel)(*tuple(_d.values())))

</pallas_src>

<mosaic_0001>
#map = affine_map<(d0, d1) -> (0, 0)>
#map1 = affine_map<(d0, d1) -> (0)>
module attributes {stable_mosaic.version = 14 : i64} {
  func.func @_sc_kernel(%arg0: i32, %arg1: i32, %arg2: memref<16384x2xi32, #tpu.memory_space<hbm>>, %arg3: memref<100000x128xf32, #tpu.memory_space<hbm>>, %arg4: memref<100000x128xf32, #tpu.memory_space<hbm>>, %arg5: memref<16384xf32, #tpu.memory_space<hbm>>, %arg6: memref<512x2xi32, #tpu.memory_space<vmem>>, %arg7: memref<512xi32, #tpu.memory_space<vmem>>, %arg8: memref<512xi32, #tpu.memory_space<vmem>>, %arg9: memref<64x128xf32, #tpu.memory_space<vmem>>, %arg10: memref<64x128xf32, #tpu.memory_space<vmem>>, %arg11: memref<64x128xf32, #tpu.memory_space<vmem>>, %arg12: memref<64x128xf32, #tpu.memory_space<vmem>>, %arg13: memref<512xf32, #tpu.memory_space<vmem>>, %arg14: memref<!tpu.dma_semaphore, #tpu.memory_space<semaphore_mem>>, %arg15: memref<!tpu.dma_semaphore, #tpu.memory_space<semaphore_mem>>, %arg16: memref<!tpu.dma_semaphore, #tpu.memory_space<semaphore_mem>>, %arg17: memref<!tpu.dma_semaphore, #tpu.memory_space<semaphore_mem>>) attributes {dimension_semantics = [#tpu.dimension_semantics<core_parallel>, #tpu.dimension_semantics<subcore_parallel>], iteration_bounds = array<i64: 2, 16>, scalar_prefetch = 0 : i64, scratch_operands = 12 : i64, tpu.core_type = #tpu.core_type<sc_vector_subcore>, window_params = [{transform_indices = #map}, {transform_indices = #map}, {transform_indices = #map}, {transform_indices = #map1}]} {
    %mul3A = arith.constant 2 : i32
    %mul3A_0 = arith.muli %arg1, %mul3A : i32
    %add3A = arith.addi %mul3A_0, %arg0 : i32
    %mul3A_1 = arith.constant 512 : i32
    %mul3A_2 = arith.muli %add3A, %mul3A_1 : i32
    %iota3A = tpu.iota {dimensions = array<i32: 0>} : vector<16xi32>
    %add3A_3 = arith.constant 1 : i32
    %add3A_4 = vector.broadcast %add3A_3 : i32 to vector<16xi32>
    %add3A_5 = arith.addi %iota3A, %add3A_4 : vector<16xi32>
    %and3A = arith.constant 15 : i32
    %and3A_6 = vector.broadcast %and3A : i32 to vector<16xi32>
    %and3A_7 = arith.andi %add3A_5, %and3A_6 : vector<16xi32>
    "tpu.region"() ({
      %run_scoped3A = tpu.sem_alloc : memref<!tpu.dma_semaphore, #tpu.memory_space<semaphore_mem>>
      %dma_start3A_324 = arith.constant 0 : i32
      %dma_start3A_325 = tpu.memref_slice %arg2[%mul3A_2, %dma_start3A_324] : memref<16384x2xi32, #tpu.memory_space<hbm>> -> memref<512x2xi32, #tpu.memory_space<hbm>>
      %dma_start3A_326 = arith.constant 0 : i32
      %dma_start3A_327 = tpu.memref_slice %arg2[%mul3A_2, %dma_start3A_326] : memref<16384x2xi32, #tpu.memory_space<hbm>> -> memref<512x2xi32, #tpu.memory_space<hbm>>
      tpu.enqueue_dma source(%dma_start3A_327 : memref<512x2xi32, #tpu.memory_space<hbm>>) target(%arg6 : memref<512x2xi32, #tpu.memory_space<vmem>>) target_semaphore(%run_scoped3A : memref<!tpu.dma_semaphore, #tpu.memory_space<semaphore_mem>>)
      %dma_wait3A = arith.constant 0 : i32
      %dma_wait3A_328 = tpu.memref_slice %arg2[%mul3A_2, %dma_wait3A] : memref<16384x2xi32, #tpu.memory_space<hbm>> -> memref<512x2xi32, #tpu.memory_space<hbm>>
      %dma_wait3A_329 = arith.constant 0 : i32
      %dma_wait3A_330 = tpu.memref_slice %arg2[%mul3A_2, %dma_wait3A_329] : memref<16384x2xi32, #tpu.memory_space<hbm>> -> memref<512x2xi32, #tpu.memory_space<hbm>>
      tpu.wait_dma2 semaphore(%run_scoped3A : memref<!tpu.dma_semaphore, #tpu.memory_space<semaphore_mem>>) src(%dma_wait3A_330 : memref<512x2xi32, #tpu.memory_space<hbm>>) dst(%arg6 : memref<512x2xi32, #tpu.memory_space<vmem>>)
      tpu.yield
    }) : () -> ()
    %broadcast_in_dim3A = arith.constant 0 : i32
    %broadcast_in_dim3A_8 = vector.broadcast %broadcast_in_dim3A : i32 to vector<16xi32>
    %add3A_9 = arith.constant 1 : i32
    %add3A_10 = vector.broadcast %add3A_9 : i32 to vector<16xi32>
    %add3A_11 = arith.addi %broadcast_in_dim3A_8, %add3A_10 : vector<16xi32>
    %add3A_12 = arith.constant 0 : i32
    %add3A_13 = vector.broadcast %add3A_12 : i32 to vector<16xi32>
    %add3A_14 = arith.addi %add3A_13, %iota3A : vector<16xi32>
    %gather3A = tpu.vector_load_idx %arg6[%add3A_14, %broadcast_in_dim3A_8] : memref<512x2xi32, #tpu.memory_space<vmem>>[vector<16xi32>, vector<16xi32>], vector<16xi32>,
    %swap3A = arith.constant 0 : index
    %swap3A_15 = tpu.vector_load %arg7[%swap3A] {strides = array<i32>} : memref<512xi32, #tpu.memory_space<vmem>>, vector<16xi32>,
    tpu.vector_store %arg7[%swap3A], %gather3A {strides = array<i32>} : memref<512xi32, #tpu.memory_space<vmem>>, vector<16xi32>,
    %gather3A_16 = tpu.vector_load_idx %arg6[%add3A_14, %add3A_11] : memref<512x2xi32, #tpu.memory_space<vmem>>[vector<16xi32>, vector<16xi32>], vector<16xi32>,
    %swap3A_17 = arith.constant 0 : index
    %swap3A_18 = tpu.vector_load %arg8[%swap3A_17] {strides = array<i32>} : memref<512xi32, #tpu.memory_space<vmem>>, vector<16xi32>,
    tpu.vector_store %arg8[%swap3A_17], %gather3A_16 {strides = array<i32>} : memref<512xi32, #tpu.memory_space<vmem>>, vector<16xi32>,
    %add3A_19 = arith.constant 16 : i32
    %add3A_20 = vector.broadcast %add3A_19 : i32 to vector<16xi32>
    %add3A_21 = arith.addi %add3A_20, %iota3A : vector<16xi32>
    %gather3A_22 = tpu.vector_load_idx %arg6[%add3A_21, %broadcast_in_dim3A_8] : memref<512x2xi32, #tpu.memory_space<vmem>>[vector<16xi32>, vector<16xi32>], vector<16xi32>,
    %swap3A_23 = arith.constant 16 : index
    %swap3A_24 = tpu.vector_load %arg7[%swap3A_23] {strides = array<i32>} : memref<512xi32, #tpu.memory_space<vmem>>, vector<16xi32>,
    tpu.vector_store %arg7[%swap3A_23], %gather3A_22 {strides = array<i32>} : memref<512xi32, #tpu.memory_space<vmem>>, vector<16xi32>,
    %gather3A_25 = tpu.vector_load_idx %arg6[%add3A_21, %add3A_11] : memref<512x2xi32, #tpu.memory_space<vmem>>[vector<16xi32>, vector<16xi32>], vector<16xi32>,
    %swap3A_26 = arith.constant 16 : index
    %swap3A_27 = tpu.vector_load %arg8[%swap3A_26] {strides = array<i32>} : memref<512xi32, #tpu.memory_space<vmem>>, vector<16xi32>,
    tpu.vector_store %arg8[%swap3A_26], %gather3A_25 {strides = array<i32>} : memref<512xi32, #tpu.memory_space<vmem>>, vector<16xi32>,
    %add3A_28 = arith.constant 32 : i32
    %add3A_29 = vector.broadcast %add3A_28 : i32 to vector<16xi32>
    %add3A_30 = arith.addi %add3A_29, %iota3A : vector<16xi32>
    %gather3A_31 = tpu.vector_load_idx %arg6[%add3A_30, %broadcast_in_dim3A_8] : memref<512x2xi32, #tpu.memory_space<vmem>>[vector<16xi32>, vector<16xi32>], vector<16xi32>,
    %swap3A_32 = arith.constant 32 : index
    %swap3A_33 = tpu.vector_load %arg7[%swap3A_32] {strides = array<i32>} : memref<512xi32, #tpu.memory_space<vmem>>, vector<16xi32>,
    tpu.vector_store %arg7[%swap3A_32], %gather3A_31 {strides = array<i32>} : memref<512xi32, #tpu.memory_space<vmem>>, vector<16xi32>,
    %gather3A_34 = tpu.vector_load_idx %arg6[%add3A_30, %add3A_11] : memref<512x2xi32, #tpu.memory_space<vmem>>[vector<16xi32>, vector<16xi32>], vector<16xi32>,
    %swap3A_35 = arith.constant 32 : index
    %swap3A_36 = tpu.vector_load %arg8[%swap3A_35] {strides = array<i32>} : memref<512xi32, #tpu.memory_space<vmem>>, vector<16xi32>,
    tpu.vector_store %arg8[%swap3A_35], %gather3A_34 {strides = array<i32>} : memref<512xi32, #tpu.memory_space<vmem>>, vector<16xi32>,
    %add3A_37 = arith.constant 48 : i32
    %add3A_38 = vector.broadcast %add3A_37 : i32 to vector<16xi32>
    %add3A_39 = arith.addi %add3A_38, %iota3A : vector<16xi32>
    %gather3A_40 = tpu.vector_load_idx %arg6[%add3A_39, %broadcast_in_dim3A_8] : memref<512x2xi32, #tpu.memory_space<vmem>>[vector<16xi32>, vector<16xi32>], vector<16xi32>,
    %swap3A_41 = arith.constant 48 : index
    %swap3A_42 = tpu.vector_load %arg7[%swap3A_41] {strides = array<i32>} : memref<512xi32, #tpu.memory_space<vmem>>, vector<16xi32>,
    tpu.vector_store %arg7[%swap3A_41], %gather3A_40 {strides = array<i32>} : memref<512xi32, #tpu.memory_space<vmem>>, vector<16xi32>,
    %gather3A_43 = tpu.vector_load_idx %arg6[%add3A_39, %add3A_11] : memref<512x2xi32, #tpu.memory_space<vmem>>[vector<16xi32>, vector<16xi32>], vector<16xi32>,
    %swap3A_44 = arith.constant 48 : index
    %swap3A_45 = tpu.vector_load %arg8[%swap3A_44] {strides = array<i32>} : memref<512xi32, #tpu.memory_space<vmem>>, vector<16xi32>,
    tpu.vector_store %arg8[%swap3A_44], %gather3A_43 {strides = array<i32>} : memref<512xi32, #tpu.memory_space<vmem>>, vector<16xi32>,
    %add3A_46 = arith.constant 64 : i32
    %add3A_47 = vector.broadcast %add3A_46 : i32 to vector<16xi32>
    %add3A_48 = arith.addi %add3A_47, %iota3A : vector<16xi32>
    %gather3A_49 = tpu.vector_load_idx %arg6[%add3A_48, %broadcast_in_dim3A_8] : memref<512x2xi32, #tpu.memory_space<vmem>>[vector<16xi32>, vector<16xi32>], vector<16xi32>,
    %swap3A_50 = arith.constant 64 : index
    %swap3A_51 = tpu.vector_load %arg7[%swap3A_50] {strides = array<i32>} : memref<512xi32, #tpu.memory_space<vmem>>, vector<16xi32>,
    tpu.vector_store %arg7[%swap3A_50], %gather3A_49 {strides = array<i32>} : memref<512xi32, #tpu.memory_space<vmem>>, vector<16xi32>,
    %gather3A_52 = tpu.vector_load_idx %arg6[%add3A_48, %add3A_11] : memref<512x2xi32, #tpu.memory_space<vmem>>[vector<16xi32>, vector<16xi32>], vector<16xi32>,
    %swap3A_53 = arith.constant 64 : index
    %swap3A_54 = tpu.vector_load %arg8[%swap3A_53] {strides = array<i32>} : memref<512xi32, #tpu.memory_space<vmem>>, vector<16xi32>,
    tpu.vector_store %arg8[%swap3A_53], %gather3A_52 {strides = array<i32>} : memref<512xi32, #tpu.memory_space<vmem>>, vector<16xi32>,
    %add3A_55 = arith.constant 80 : i32
    %add3A_56 = vector.broadcast %add3A_55 : i32 to vector<16xi32>
    %add3A_57 = arith.addi %add3A_56, %iota3A : vector<16xi32>
    %gather3A_58 = tpu.vector_load_idx %arg6[%add3A_57, %broadcast_in_dim3A_8] : memref<512x2xi32, #tpu.memory_space<vmem>>[vector<16xi32>, vector<16xi32>], vector<16xi32>,
    %swap3A_59 = arith.constant 80 : index
    %swap3A_60 = tpu.vector_load %arg7[%swap3A_59] {strides = array<i32>} : memref<512xi32, #tpu.memory_space<vmem>>, vector<16xi32>,
    tpu.vector_store %arg7[%swap3A_59], %gather3A_58 {strides = array<i32>} : memref<512xi32, #tpu.memory_space<vmem>>, vector<16xi32>,
    %gather3A_61 = tpu.vector_load_idx %arg6[%add3A_57, %add3A_11] : memref<512x2xi32, #tpu.memory_space<vmem>>[vector<16xi32>, vector<16xi32>], vector<16xi32>,
    %swap3A_62 = arith.constant 80 : index
    %swap3A_63 = tpu.vector_load %arg8[%swap3A_62] {strides = array<i32>} : memref<512xi32, #tpu.memory_space<vmem>>, vector<16xi32>,
    tpu.vector_store %arg8[%swap3A_62], %gather3A_61 {strides = array<i32>} : memref<512xi32, #tpu.memory_space<vmem>>, vector<16xi32>,
    %add3A_64 = arith.constant 96 : i32
    %add3A_65 = vector.broadcast %add3A_64 : i32 to vector<16xi32>
    %add3A_66 = arith.addi %add3A_65, %iota3A : vector<16xi32>
    %gather3A_67 = tpu.vector_load_idx %arg6[%add3A_66, %broadcast_in_dim3A_8] : memref<512x2xi32, #tpu.memory_space<vmem>>[vector<16xi32>, vector<16xi32>], vector<16xi32>,
    %swap3A_68 = arith.constant 96 : index
    %swap3A_69 = tpu.vector_load %arg7[%swap3A_68] {strides = array<i32>} : memref<512xi32, #tpu.memory_space<vmem>>, vector<16xi32>,
    tpu.vector_store %arg7[%swap3A_68], %gather3A_67 {strides = array<i32>} : memref<512xi32, #tpu.memory_space<vmem>>, vector<16xi32>,
    %gather3A_70 = tpu.vector_load_idx %arg6[%add3A_66, %add3A_11] : memref<512x2xi32, #tpu.memory_space<vmem>>[vector<16xi32>, vector<16xi32>], vector<16xi32>,
    %swap3A_71 = arith.constant 96 : index
    %swap3A_72 = tpu.vector_load %arg8[%swap3A_71] {strides = array<i32>} : memref<512xi32, #tpu.memory_space<vmem>>, vector<16xi32>,
    tpu.vector_store %arg8[%swap3A_71], %gather3A_70 {strides = array<i32>} : memref<512xi32, #tpu.memory_space<vmem>>, vector<16xi32>,
    %add3A_73 = arith.constant 112 : i32
    %add3A_74 = vector.broadcast %add3A_73 : i32 to vector<16xi32>
    %add3A_75 = arith.addi %add3A_74, %iota3A : vector<16xi32>
    %gather3A_76 = tpu.vector_load_idx %arg6[%add3A_75, %broadcast_in_dim3A_8] : memref<512x2xi32, #tpu.memory_space<vmem>>[vector<16xi32>, vector<16xi32>], vector<16xi32>,
    %swap3A_77 = arith.constant 112 : index
    %swap3A_78 = tpu.vector_load %arg7[%swap3A_77] {strides = array<i32>} : memref<512xi32, #tpu.memory_space<vmem>>, vector<16xi32>,
    tpu.vector_store %arg7[%swap3A_77], %gather3A_76 {strides = array<i32>} : memref<512xi32, #tpu.memory_space<vmem>>, vector<16xi32>,
    %gather3A_79 = tpu.vector_load_idx %arg6[%add3A_75, %add3A_11] : memref<512x2xi32, #tpu.memory_space<vmem>>[vector<16xi32>, vector<16xi32>], vector<16xi32>,
    %swap3A_80 = arith.constant 112 : index
    %swap3A_81 = tpu.vector_load %arg8[%swap3A_80] {strides = array<i32>} : memref<512xi32, #tpu.memory_space<vmem>>, vector<16xi32>,
    tpu.vector_store %arg8[%swap3A_80], %gather3A_79 {strides = array<i32>} : memref<512xi32, #tpu.memory_space<vmem>>, vector<16xi32>,
    %add3A_82 = arith.constant 128 : i32
    %add3A_83 = vector.broadcast %add3A_82 : i32 to vector<16xi32>
    %add3A_84 = arith.addi %add3A_83, %iota3A : vector<16xi32>
    %gather3A_85 = tpu.vector_load_idx %arg6[%add3A_84, %broadcast_in_dim3A_8] : memref<512x2xi32, #tpu.memory_space<vmem>>[vector<16xi32>, vector<16xi32>], vector<16xi32>,
    %swap3A_86 = arith.constant 128 : index
    %swap3A_87 = tpu.vector_load %arg7[%swap3A_86] {strides = array<i32>} : memref<512xi32, #tpu.memory_space<vmem>>, vector<16xi32>,
    tpu.vector_store %arg7[%swap3A_86], %gather3A_85 {strides = array<i32>} : memref<512xi32, #tpu.memory_space<vmem>>, vector<16xi32>,
    %gather3A_88 = tpu.vector_load_idx %arg6[%add3A_84, %add3A_11] : memref<512x2xi32, #tpu.memory_space<vmem>>[vector<16xi32>, vector<16xi32>], vector<16xi32>,
    %swap3A_89 = arith.constant 128 : index
    %swap3A_90 = tpu.vector_load %arg8[%swap3A_89] {strides = array<i32>} : memref<512xi32, #tpu.memory_space<vmem>>, vector<16xi32>,
    tpu.vector_store %arg8[%swap3A_89], %gather3A_88 {strides = array<i32>} : memref<512xi32, #tpu.memory_space<vmem>>, vector<16xi32>,
    %add3A_91 = arith.constant 144 : i32
    %add3A_92 = vector.broadcast %add3A_91 : i32 to vector<16xi32>
    %add3A_93 = arith.addi %add3A_92, %iota3A : vector<16xi32>
    %gather3A_94 = tpu.vector_load_idx %arg6[%add3A_93, %broadcast_in_dim3A_8] : memref<512x2xi32, #tpu.memory_space<vmem>>[vector<16xi32>, vector<16xi32>], vector<16xi32>,
    %swap3A_95 = arith.constant 144 : index
    %swap3A_96 = tpu.vector_load %arg7[%swap3A_95] {strides = array<i32>} : memref<512xi32, #tpu.memory_space<vmem>>, vector<16xi32>,
    tpu.vector_store %arg7[%swap3A_95], %gather3A_94 {strides = array<i32>} : memref<512xi32, #tpu.memory_space<vmem>>, vector<16xi32>,
    %gather3A_97 = tpu.vector_load_idx %arg6[%add3A_93, %add3A_11] : memref<512x2xi32, #tpu.memory_space<vmem>>[vector<16xi32>, vector<16xi32>], vector<16xi32>,
    %swap3A_98 = arith.constant 144 : index
    %swap3A_99 = tpu.vector_load %arg8[%swap3A_98] {strides = array<i32>} : memref<512xi32, #tpu.memory_space<vmem>>, vector<16xi32>,
    tpu.vector_store %arg8[%swap3A_98], %gather3A_97 {strides = array<i32>} : memref<512xi32, #tpu.memory_space<vmem>>, vector<16xi32>,
    %add3A_100 = arith.constant 160 : i32
    %add3A_101 = vector.broadcast %add3A_100 : i32 to vector<16xi32>
    %add3A_102 = arith.addi %add3A_101, %iota3A : vector<16xi32>
    %gather3A_103 = tpu.vector_load_idx %arg6[%add3A_102, %broadcast_in_dim3A_8] : memref<512x2xi32, #tpu.memory_space<vmem>>[vector<16xi32>, vector<16xi32>], vector<16xi32>,
    %swap3A_104 = arith.constant 160 : index
    %swap3A_105 = tpu.vector_load %arg7[%swap3A_104] {strides = array<i32>} : memref<512xi32, #tpu.memory_space<vmem>>, vector<16xi32>,
    tpu.vector_store %arg7[%swap3A_104], %gather3A_103 {strides = array<i32>} : memref<512xi32, #tpu.memory_space<vmem>>, vector<16xi32>,
    %gather3A_106 = tpu.vector_load_idx %arg6[%add3A_102, %add3A_11] : memref<512x2xi32, #tpu.memory_space<vmem>>[vector<16xi32>, vector<16xi32>], vector<16xi32>,
    %swap3A_107 = arith.constant 160 : index
    %swap3A_108 = tpu.vector_load %arg8[%swap3A_107] {strides = array<i32>} : memref<512xi32, #tpu.memory_space<vmem>>, vector<16xi32>,
    tpu.vector_store %arg8[%swap3A_107], %gather3A_106 {strides = array<i32>} : memref<512xi32, #tpu.memory_space<vmem>>, vector<16xi32>,
    %add3A_109 = arith.constant 176 : i32
    %add3A_110 = vector.broadcast %add3A_109 : i32 to vector<16xi32>
    %add3A_111 = arith.addi %add3A_110, %iota3A : vector<16xi32>
    %gather3A_112 = tpu.vector_load_idx %arg6[%add3A_111, %broadcast_in_dim3A_8] : memref<512x2xi32, #tpu.memory_space<vmem>>[vector<16xi32>, vector<16xi32>], vector<16xi32>,
    %swap3A_113 = arith.constant 176 : index
    %swap3A_114 = tpu.vector_load %arg7[%swap3A_113] {strides = array<i32>} : memref<512xi32, #tpu.memory_space<vmem>>, vector<16xi32>,
    tpu.vector_store %arg7[%swap3A_113], %gather3A_112 {strides = array<i32>} : memref<512xi32, #tpu.memory_space<vmem>>, vector<16xi32>,
    %gather3A_115 = tpu.vector_load_idx %arg6[%add3A_111, %add3A_11] : memref<512x2xi32, #tpu.memory_space<vmem>>[vector<16xi32>, vector<16xi32>], vector<16xi32>,
    %swap3A_116 = arith.constant 176 : index
    %swap3A_117 = tpu.vector_load %arg8[%swap3A_116] {strides = array<i32>} : memref<512xi32, #tpu.memory_space<vmem>>, vector<16xi32>,
    tpu.vector_store %arg8[%swap3A_116], %gather3A_115 {strides = array<i32>} : memref<512xi32, #tpu.memory_space<vmem>>, vector<16xi32>,
    %add3A_118 = arith.constant 192 : i32
    %add3A_119 = vector.broadcast %add3A_118 : i32 to vector<16xi32>
    %add3A_120 = arith.addi %add3A_119, %iota3A : vector<16xi32>
    %gather3A_121 = tpu.vector_load_idx %arg6[%add3A_120, %broadcast_in_dim3A_8] : memref<512x2xi32, #tpu.memory_space<vmem>>[vector<16xi32>, vector<16xi32>], vector<16xi32>,
    %swap3A_122 = arith.constant 192 : index
    %swap3A_123 = tpu.vector_load %arg7[%swap3A_122] {strides = array<i32>} : memref<512xi32, #tpu.memory_space<vmem>>, vector<16xi32>,
    tpu.vector_store %arg7[%swap3A_122], %gather3A_121 {strides = array<i32>} : memref<512xi32, #tpu.memory_space<vmem>>, vector<16xi32>,
    %gather3A_124 = tpu.vector_load_idx %arg6[%add3A_120, %add3A_11] : memref<512x2xi32, #tpu.memory_space<vmem>>[vector<16xi32>, vector<16xi32>], vector<16xi32>,
    %swap3A_125 = arith.constant 192 : index
    %swap3A_126 = tpu.vector_load %arg8[%swap3A_125] {strides = array<i32>} : memref<512xi32, #tpu.memory_space<vmem>>, vector<16xi32>,
    tpu.vector_store %arg8[%swap3A_125], %gather3A_124 {strides = array<i32>} : memref<512xi32, #tpu.memory_space<vmem>>, vector<16xi32>,
    %add3A_127 = arith.constant 208 : i32
    %add3A_128 = vector.broadcast %add3A_127 : i32 to vector<16xi32>
    %add3A_129 = arith.addi %add3A_128, %iota3A : vector<16xi32>
    %gather3A_130 = tpu.vector_load_idx %arg6[%add3A_129, %broadcast_in_dim3A_8] : memref<512x2xi32, #tpu.memory_space<vmem>>[vector<16xi32>, vector<16xi32>], vector<16xi32>,
    %swap3A_131 = arith.constant 208 : index
    %swap3A_132 = tpu.vector_load %arg7[%swap3A_131] {strides = array<i32>} : memref<512xi32, #tpu.memory_space<vmem>>, vector<16xi32>,
    tpu.vector_store %arg7[%swap3A_131], %gather3A_130 {strides = array<i32>} : memref<512xi32, #tpu.memory_space<vmem>>, vector<16xi32>,
    %gather3A_133 = tpu.vector_load_idx %arg6[%add3A_129, %add3A_11] : memref<512x2xi32, #tpu.memory_space<vmem>>[vector<16xi32>, vector<16xi32>], vector<16xi32>,
    %swap3A_134 = arith.constant 208 : index
    %swap3A_135 = tpu.vector_load %arg8[%swap3A_134] {strides = array<i32>} : memref<512xi32, #tpu.memory_space<vmem>>, vector<16xi32>,
    tpu.vector_store %arg8[%swap3A_134], %gather3A_133 {strides = array<i32>} : memref<512xi32, #tpu.memory_space<vmem>>, vector<16xi32>,
    %add3A_136 = arith.constant 224 : i32
    %add3A_137 = vector.broadcast %add3A_136 : i32 to vector<16xi32>
    %add3A_138 = arith.addi %add3A_137, %iota3A : vector<16xi32>
    %gather3A_139 = tpu.vector_load_idx %arg6[%add3A_138, %broadcast_in_dim3A_8] : memref<512x2xi32, #tpu.memory_space<vmem>>[vector<16xi32>, vector<16xi32>], vector<16xi32>,
    %swap3A_140 = arith.constant 224 : index
    %swap3A_141 = tpu.vector_load %arg7[%swap3A_140] {strides = array<i32>} : memref<512xi32, #tpu.memory_space<vmem>>, vector<16xi32>,
    tpu.vector_store %arg7[%swap3A_140], %gather3A_139 {strides = array<i32>} : memref<512xi32, #tpu.memory_space<vmem>>, vector<16xi32>,
    %gather3A_142 = tpu.vector_load_idx %arg6[%add3A_138, %add3A_11] : memref<512x2xi32, #tpu.memory_space<vmem>>[vector<16xi32>, vector<16xi32>], vector<16xi32>,
    %swap3A_143 = arith.constant 224 : index
    %swap3A_144 = tpu.vector_load %arg8[%swap3A_143] {strides = array<i32>} : memref<512xi32, #tpu.memory_space<vmem>>, vector<16xi32>,
    tpu.vector_store %arg8[%swap3A_143], %gather3A_142 {strides = array<i32>} : memref<512xi32, #tpu.memory_space<vmem>>, vector<16xi32>,
    %add3A_145 = arith.constant 240 : i32
    %add3A_146 = vector.broadcast %add3A_145 : i32 to vector<16xi32>
    %add3A_147 = arith.addi %add3A_146, %iota3A : vector<16xi32>
    %gather3A_148 = tpu.vector_load_idx %arg6[%add3A_147, %broadcast_in_dim3A_8] : memref<512x2xi32, #tpu.memory_space<vmem>>[vector<16xi32>, vector<16xi32>], vector<16xi32>,
    %swap3A_149 = arith.constant 240 : index
    %swap3A_150 = tpu.vector_load %arg7[%swap3A_149] {strides = array<i32>} : memref<512xi32, #tpu.memory_space<vmem>>, vector<16xi32>,
    tpu.vector_store %arg7[%swap3A_149], %gather3A_148 {strides = array<i32>} : memref<512xi32, #tpu.memory_space<vmem>>, vector<16xi32>,
    %gather3A_151 = tpu.vector_load_idx %arg6[%add3A_147, %add3A_11] : memref<512x2xi32, #tpu.memory_space<vmem>>[vector<16xi32>, vector<16xi32>], vector<16xi32>,
    %swap3A_152 = arith.constant 240 : index
    %swap3A_153 = tpu.vector_load %arg8[%swap3A_152] {strides = array<i32>} : memref<512xi32, #tpu.memory_space<vmem>>, vector<16xi32>,
    tpu.vector_store %arg8[%swap3A_152], %gather3A_151 {strides = array<i32>} : memref<512xi32, #tpu.memory_space<vmem>>, vector<16xi32>,
    %add3A_154 = arith.constant 256 : i32
    %add3A_155 = vector.broadcast %add3A_154 : i32 to vector<16xi32>
    %add3A_156 = arith.addi %add3A_155, %iota3A : vector<16xi32>
    %gather3A_157 = tpu.vector_load_idx %arg6[%add3A_156, %broadcast_in_dim3A_8] : memref<512x2xi32, #tpu.memory_space<vmem>>[vector<16xi32>, vector<16xi32>], vector<16xi32>,
    %swap3A_158 = arith.constant 256 : index
    %swap3A_159 = tpu.vector_load %arg7[%swap3A_158] {strides = array<i32>} : memref<512xi32, #tpu.memory_space<vmem>>, vector<16xi32>,
    tpu.vector_store %arg7[%swap3A_158], %gather3A_157 {strides = array<i32>} : memref<512xi32, #tpu.memory_space<vmem>>, vector<16xi32>,
    %gather3A_160 = tpu.vector_load_idx %arg6[%add3A_156, %add3A_11] : memref<512x2xi32, #tpu.memory_space<vmem>>[vector<16xi32>, vector<16xi32>], vector<16xi32>,
    %swap3A_161 = arith.constant 256 : index
    %swap3A_162 = tpu.vector_load %arg8[%swap3A_161] {strides = array<i32>} : memref<512xi32, #tpu.memory_space<vmem>>, vector<16xi32>,
    tpu.vector_store %arg8[%swap3A_161], %gather3A_160 {strides = array<i32>} : memref<512xi32, #tpu.memory_space<vmem>>, vector<16xi32>,
    %add3A_163 = arith.constant 272 : i32
    %add3A_164 = vector.broadcast %add3A_163 : i32 to vector<16xi32>
    %add3A_165 = arith.addi %add3A_164, %iota3A : vector<16xi32>
    %gather3A_166 = tpu.vector_load_idx %arg6[%add3A_165, %broadcast_in_dim3A_8] : memref<512x2xi32, #tpu.memory_space<vmem>>[vector<16xi32>, vector<16xi32>], vector<16xi32>,
    %swap3A_167 = arith.constant 272 : index
    %swap3A_168 = tpu.vector_load %arg7[%swap3A_167] {strides = array<i32>} : memref<512xi32, #tpu.memory_space<vmem>>, vector<16xi32>,
    tpu.vector_store %arg7[%swap3A_167], %gather3A_166 {strides = array<i32>} : memref<512xi32, #tpu.memory_space<vmem>>, vector<16xi32>,
    %gather3A_169 = tpu.vector_load_idx %arg6[%add3A_165, %add3A_11] : memref<512x2xi32, #tpu.memory_space<vmem>>[vector<16xi32>, vector<16xi32>], vector<16xi32>,
    %swap3A_170 = arith.constant 272 : index
    %swap3A_171 = tpu.vector_load %arg8[%swap3A_170] {strides = array<i32>} : memref<512xi32, #tpu.memory_space<vmem>>, vector<16xi32>,
    tpu.vector_store %arg8[%swap3A_170], %gather3A_169 {strides = array<i32>} : memref<512xi32, #tpu.memory_space<vmem>>, vector<16xi32>,
    %add3A_172 = arith.constant 288 : i32
    %add3A_173 = vector.broadcast %add3A_172 : i32 to vector<16xi32>
    %add3A_174 = arith.addi %add3A_173, %iota3A : vector<16xi32>
    %gather3A_175 = tpu.vector_load_idx %arg6[%add3A_174, %broadcast_in_dim3A_8] : memref<512x2xi32, #tpu.memory_space<vmem>>[vector<16xi32>, vector<16xi32>], vector<16xi32>,
    %swap3A_176 = arith.constant 288 : index
    %swap3A_177 = tpu.vector_load %arg7[%swap3A_176] {strides = array<i32>} : memref<512xi32, #tpu.memory_space<vmem>>, vector<16xi32>,
    tpu.vector_store %arg7[%swap3A_176], %gather3A_175 {strides = array<i32>} : memref<512xi32, #tpu.memory_space<vmem>>, vector<16xi32>,
    %gather3A_178 = tpu.vector_load_idx %arg6[%add3A_174, %add3A_11] : memref<512x2xi32, #tpu.memory_space<vmem>>[vector<16xi32>, vector<16xi32>], vector<16xi32>,
    %swap3A_179 = arith.constant 288 : index
    %swap3A_180 = tpu.vector_load %arg8[%swap3A_179] {strides = array<i32>} : memref<512xi32, #tpu.memory_space<vmem>>, vector<16xi32>,
    tpu.vector_store %arg8[%swap3A_179], %gather3A_178 {strides = array<i32>} : memref<512xi32, #tpu.memory_space<vmem>>, vector<16xi32>,
    %add3A_181 = arith.constant 304 : i32
    %add3A_182 = vector.broadcast %add3A_181 : i32 to vector<16xi32>
    %add3A_183 = arith.addi %add3A_182, %iota3A : vector<16xi32>
    %gather3A_184 = tpu.vector_load_idx %arg6[%add3A_183, %broadcast_in_dim3A_8] : memref<512x2xi32, #tpu.memory_space<vmem>>[vector<16xi32>, vector<16xi32>], vector<16xi32>,
    %swap3A_185 = arith.constant 304 : index
    %swap3A_186 = tpu.vector_load %arg7[%swap3A_185] {strides = array<i32>} : memref<512xi32, #tpu.memory_space<vmem>>, vector<16xi32>,
    tpu.vector_store %arg7[%swap3A_185], %gather3A_184 {strides = array<i32>} : memref<512xi32, #tpu.memory_space<vmem>>, vector<16xi32>,
    %gather3A_187 = tpu.vector_load_idx %arg6[%add3A_183, %add3A_11] : memref<512x2xi32, #tpu.memory_space<vmem>>[vector<16xi32>, vector<16xi32>], vector<16xi32>,
    %swap3A_188 = arith.constant 304 : index
    %swap3A_189 = tpu.vector_load %arg8[%swap3A_188] {strides = array<i32>} : memref<512xi32, #tpu.memory_space<vmem>>, vector<16xi32>,
    tpu.vector_store %arg8[%swap3A_188], %gather3A_187 {strides = array<i32>} : memref<512xi32, #tpu.memory_space<vmem>>, vector<16xi32>,
    %add3A_190 = arith.constant 320 : i32
    %add3A_191 = vector.broadcast %add3A_190 : i32 to vector<16xi32>
    %add3A_192 = arith.addi %add3A_191, %iota3A : vector<16xi32>
    %gather3A_193 = tpu.vector_load_idx %arg6[%add3A_192, %broadcast_in_dim3A_8] : memref<512x2xi32, #tpu.memory_space<vmem>>[vector<16xi32>, vector<16xi32>], vector<16xi32>,
    %swap3A_194 = arith.constant 320 : index
    %swap3A_195 = tpu.vector_load %arg7[%swap3A_194] {strides = array<i32>} : memref<512xi32, #tpu.memory_space<vmem>>, vector<16xi32>,
    tpu.vector_store %arg7[%swap3A_194], %gather3A_193 {strides = array<i32>} : memref<512xi32, #tpu.memory_space<vmem>>, vector<16xi32>,
    %gather3A_196 = tpu.vector_load_idx %arg6[%add3A_192, %add3A_11] : memref<512x2xi32, #tpu.memory_space<vmem>>[vector<16xi32>, vector<16xi32>], vector<16xi32>,
    %swap3A_197 = arith.constant 320 : index
    %swap3A_198 = tpu.vector_load %arg8[%swap3A_197] {strides = array<i32>} : memref<512xi32, #tpu.memory_space<vmem>>, vector<16xi32>,
    tpu.vector_store %arg8[%swap3A_197], %gather3A_196 {strides = array<i32>} : memref<512xi32, #tpu.memory_space<vmem>>, vector<16xi32>,
    %add3A_199 = arith.constant 336 : i32
    %add3A_200 = vector.broadcast %add3A_199 : i32 to vector<16xi32>
    %add3A_201 = arith.addi %add3A_200, %iota3A : vector<16xi32>
    %gather3A_202 = tpu.vector_load_idx %arg6[%add3A_201, %broadcast_in_dim3A_8] : memref<512x2xi32, #tpu.memory_space<vmem>>[vector<16xi32>, vector<16xi32>], vector<16xi32>,
    %swap3A_203 = arith.constant 336 : index
    %swap3A_204 = tpu.vector_load %arg7[%swap3A_203] {strides = array<i32>} : memref<512xi32, #tpu.memory_space<vmem>>, vector<16xi32>,
    tpu.vector_store %arg7[%swap3A_203], %gather3A_202 {strides = array<i32>} : memref<512xi32, #tpu.memory_space<vmem>>, vector<16xi32>,
    %gather3A_205 = tpu.vector_load_idx %arg6[%add3A_201, %add3A_11] : memref<512x2xi32, #tpu.memory_space<vmem>>[vector<16xi32>, vector<16xi32>], vector<16xi32>,
    %swap3A_206 = arith.constant 336 : index
    %swap3A_207 = tpu.vector_load %arg8[%swap3A_206] {strides = array<i32>} : memref<512xi32, #tpu.memory_space<vmem>>, vector<16xi32>,
    tpu.vector_store %arg8[%swap3A_206], %gather3A_205 {strides = array<i32>} : memref<512xi32, #tpu.memory_space<vmem>>, vector<16xi32>,
    %add3A_208 = arith.constant 352 : i32
    %add3A_209 = vector.broadcast %add3A_208 : i32 to vector<16xi32>
    %add3A_210 = arith.addi %add3A_209, %iota3A : vector<16xi32>
    %gather3A_211 = tpu.vector_load_idx %arg6[%add3A_210, %broadcast_in_dim3A_8] : memref<512x2xi32, #tpu.memory_space<vmem>>[vector<16xi32>, vector<16xi32>], vector<16xi32>,
    %swap3A_212 = arith.constant 352 : index
    %swap3A_213 = tpu.vector_load %arg7[%swap3A_212] {strides = array<i32>} : memref<512xi32, #tpu.memory_space<vmem>>, vector<16xi32>,
    tpu.vector_store %arg7[%swap3A_212], %gather3A_211 {strides = array<i32>} : memref<512xi32, #tpu.memory_space<vmem>>, vector<16xi32>,
    %gather3A_214 = tpu.vector_load_idx %arg6[%add3A_210, %add3A_11] : memref<512x2xi32, #tpu.memory_space<vmem>>[vector<16xi32>, vector<16xi32>], vector<16xi32>,
    %swap3A_215 = arith.constant 352 : index
    %swap3A_216 = tpu.vector_load %arg8[%swap3A_215] {strides = array<i32>} : memref<512xi32, #tpu.memory_space<vmem>>, vector<16xi32>,
    tpu.vector_store %arg8[%swap3A_215], %gather3A_214 {strides = array<i32>} : memref<512xi32, #tpu.memory_space<vmem>>, vector<16xi32>,
    %add3A_217 = arith.constant 368 : i32
    %add3A_218 = vector.broadcast %add3A_217 : i32 to vector<16xi32>
    %add3A_219 = arith.addi %add3A_218, %iota3A : vector<16xi32>
    %gather3A_220 = tpu.vector_load_idx %arg6[%add3A_219, %broadcast_in_dim3A_8] : memref<512x2xi32, #tpu.memory_space<vmem>>[vector<16xi32>, vector<16xi32>], vector<16xi32>,
    %swap3A_221 = arith.constant 368 : index
    %swap3A_222 = tpu.vector_load %arg7[%swap3A_221] {strides = array<i32>} : memref<512xi32, #tpu.memory_space<vmem>>, vector<16xi32>,
    tpu.vector_store %arg7[%swap3A_221], %gather3A_220 {strides = array<i32>} : memref<512xi32, #tpu.memory_space<vmem>>, vector<16xi32>,
    %gather3A_223 = tpu.vector_load_idx %arg6[%add3A_219, %add3A_11] : memref<512x2xi32, #tpu.memory_space<vmem>>[vector<16xi32>, vector<16xi32>], vector<16xi32>,
    %swap3A_224 = arith.constant 368 : index
    %swap3A_225 = tpu.vector_load %arg8[%swap3A_224] {strides = array<i32>} : memref<512xi32, #tpu.memory_space<vmem>>, vector<16xi32>,
    tpu.vector_store %arg8[%swap3A_224], %gather3A_223 {strides = array<i32>} : memref<512xi32, #tpu.memory_space<vmem>>, vector<16xi32>,
    %add3A_226 = arith.constant 384 : i32
    %add3A_227 = vector.broadcast %add3A_226 : i32 to vector<16xi32>
    %add3A_228 = arith.addi %add3A_227, %iota3A : vector<16xi32>
    %gather3A_229 = tpu.vector_load_idx %arg6[%add3A_228, %broadcast_in_dim3A_8] : memref<512x2xi32, #tpu.memory_space<vmem>>[vector<16xi32>, vector<16xi32>], vector<16xi32>,
    %swap3A_230 = arith.constant 384 : index
    %swap3A_231 = tpu.vector_load %arg7[%swap3A_230] {strides = array<i32>} : memref<512xi32, #tpu.memory_space<vmem>>, vector<16xi32>,
    tpu.vector_store %arg7[%swap3A_230], %gather3A_229 {strides = array<i32>} : memref<512xi32, #tpu.memory_space<vmem>>, vector<16xi32>,
    %gather3A_232 = tpu.vector_load_idx %arg6[%add3A_228, %add3A_11] : memref<512x2xi32, #tpu.memory_space<vmem>>[vector<16xi32>, vector<16xi32>], vector<16xi32>,
    %swap3A_233 = arith.constant 384 : index
    %swap3A_234 = tpu.vector_load %arg8[%swap3A_233] {strides = array<i32>} : memref<512xi32, #tpu.memory_space<vmem>>, vector<16xi32>,
    tpu.vector_store %arg8[%swap3A_233], %gather3A_232 {strides = array<i32>} : memref<512xi32, #tpu.memory_space<vmem>>, vector<16xi32>,
    %add3A_235 = arith.constant 400 : i32
    %add3A_236 = vector.broadcast %add3A_235 : i32 to vector<16xi32>
    %add3A_237 = arith.addi %add3A_236, %iota3A : vector<16xi32>
    %gather3A_238 = tpu.vector_load_idx %arg6[%add3A_237, %broadcast_in_dim3A_8] : memref<512x2xi32, #tpu.memory_space<vmem>>[vector<16xi32>, vector<16xi32>], vector<16xi32>,
    %swap3A_239 = arith.constant 400 : index
    %swap3A_240 = tpu.vector_load %arg7[%swap3A_239] {strides = array<i32>} : memref<512xi32, #tpu.memory_space<vmem>>, vector<16xi32>,
    tpu.vector_store %arg7[%swap3A_239], %gather3A_238 {strides = array<i32>} : memref<512xi32, #tpu.memory_space<vmem>>, vector<16xi32>,
    %gather3A_241 = tpu.vector_load_idx %arg6[%add3A_237, %add3A_11] : memref<512x2xi32, #tpu.memory_space<vmem>>[vector<16xi32>, vector<16xi32>], vector<16xi32>,
    %swap3A_242 = arith.constant 400 : index
    %swap3A_243 = tpu.vector_load %arg8[%swap3A_242] {strides = array<i32>} : memref<512xi32, #tpu.memory_space<vmem>>, vector<16xi32>,
    tpu.vector_store %arg8[%swap3A_242], %gather3A_241 {strides = array<i32>} : memref<512xi32, #tpu.memory_space<vmem>>, vector<16xi32>,
    %add3A_244 = arith.constant 416 : i32
    %add3A_245 = vector.broadcast %add3A_244 : i32 to vector<16xi32>
    %add3A_246 = arith.addi %add3A_245, %iota3A : vector<16xi32>
    %gather3A_247 = tpu.vector_load_idx %arg6[%add3A_246, %broadcast_in_dim3A_8] : memref<512x2xi32, #tpu.memory_space<vmem>>[vector<16xi32>, vector<16xi32>], vector<16xi32>,
    %swap3A_248 = arith.constant 416 : index
    %swap3A_249 = tpu.vector_load %arg7[%swap3A_248] {strides = array<i32>} : memref<512xi32, #tpu.memory_space<vmem>>, vector<16xi32>,
    tpu.vector_store %arg7[%swap3A_248], %gather3A_247 {strides = array<i32>} : memref<512xi32, #tpu.memory_space<vmem>>, vector<16xi32>,
    %gather3A_250 = tpu.vector_load_idx %arg6[%add3A_246, %add3A_11] : memref<512x2xi32, #tpu.memory_space<vmem>>[vector<16xi32>, vector<16xi32>], vector<16xi32>,
    %swap3A_251 = arith.constant 416 : index
    %swap3A_252 = tpu.vector_load %arg8[%swap3A_251] {strides = array<i32>} : memref<512xi32, #tpu.memory_space<vmem>>, vector<16xi32>,
    tpu.vector_store %arg8[%swap3A_251], %gather3A_250 {strides = array<i32>} : memref<512xi32, #tpu.memory_space<vmem>>, vector<16xi32>,
    %add3A_253 = arith.constant 432 : i32
    %add3A_254 = vector.broadcast %add3A_253 : i32 to vector<16xi32>
    %add3A_255 = arith.addi %add3A_254, %iota3A : vector<16xi32>
    %gather3A_256 = tpu.vector_load_idx %arg6[%add3A_255, %broadcast_in_dim3A_8] : memref<512x2xi32, #tpu.memory_space<vmem>>[vector<16xi32>, vector<16xi32>], vector<16xi32>,
    %swap3A_257 = arith.constant 432 : index
    %swap3A_258 = tpu.vector_load %arg7[%swap3A_257] {strides = array<i32>} : memref<512xi32, #tpu.memory_space<vmem>>, vector<16xi32>,
    tpu.vector_store %arg7[%swap3A_257], %gather3A_256 {strides = array<i32>} : memref<512xi32, #tpu.memory_space<vmem>>, vector<16xi32>,
    %gather3A_259 = tpu.vector_load_idx %arg6[%add3A_255, %add3A_11] : memref<512x2xi32, #tpu.memory_space<vmem>>[vector<16xi32>, vector<16xi32>], vector<16xi32>,
    %swap3A_260 = arith.constant 432 : index
    %swap3A_261 = tpu.vector_load %arg8[%swap3A_260] {strides = array<i32>} : memref<512xi32, #tpu.memory_space<vmem>>, vector<16xi32>,
    tpu.vector_store %arg8[%swap3A_260], %gather3A_259 {strides = array<i32>} : memref<512xi32, #tpu.memory_space<vmem>>, vector<16xi32>,
    %add3A_262 = arith.constant 448 : i32
    %add3A_263 = vector.broadcast %add3A_262 : i32 to vector<16xi32>
    %add3A_264 = arith.addi %add3A_263, %iota3A : vector<16xi32>
    %gather3A_265 = tpu.vector_load_idx %arg6[%add3A_264, %broadcast_in_dim3A_8] : memref<512x2xi32, #tpu.memory_space<vmem>>[vector<16xi32>, vector<16xi32>], vector<16xi32>,
    %swap3A_266 = arith.constant 448 : index
    %swap3A_267 = tpu.vector_load %arg7[%swap3A_266] {strides = array<i32>} : memref<512xi32, #tpu.memory_space<vmem>>, vector<16xi32>,
    tpu.vector_store %arg7[%swap3A_266], %gather3A_265 {strides = array<i32>} : memref<512xi32, #tpu.memory_space<vmem>>, vector<16xi32>,
    %gather3A_268 = tpu.vector_load_idx %arg6[%add3A_264, %add3A_11] : memref<512x2xi32, #tpu.memory_space<vmem>>[vector<16xi32>, vector<16xi32>], vector<16xi32>,
    %swap3A_269 = arith.constant 448 : index
    %swap3A_270 = tpu.vector_load %arg8[%swap3A_269] {strides = array<i32>} : memref<512xi32, #tpu.memory_space<vmem>>, vector<16xi32>,
    tpu.vector_store %arg8[%swap3A_269], %gather3A_268 {strides = array<i32>} : memref<512xi32, #tpu.memory_space<vmem>>, vector<16xi32>,
    %add3A_271 = arith.constant 464 : i32
    %add3A_272 = vector.broadcast %add3A_271 : i32 to vector<16xi32>
    %add3A_273 = arith.addi %add3A_272, %iota3A : vector<16xi32>
    %gather3A_274 = tpu.vector_load_idx %arg6[%add3A_273, %broadcast_in_dim3A_8] : memref<512x2xi32, #tpu.memory_space<vmem>>[vector<16xi32>, vector<16xi32>], vector<16xi32>,
    %swap3A_275 = arith.constant 464 : index
    %swap3A_276 = tpu.vector_load %arg7[%swap3A_275] {strides = array<i32>} : memref<512xi32, #tpu.memory_space<vmem>>, vector<16xi32>,
    tpu.vector_store %arg7[%swap3A_275], %gather3A_274 {strides = array<i32>} : memref<512xi32, #tpu.memory_space<vmem>>, vector<16xi32>,
    %gather3A_277 = tpu.vector_load_idx %arg6[%add3A_273, %add3A_11] : memref<512x2xi32, #tpu.memory_space<vmem>>[vector<16xi32>, vector<16xi32>], vector<16xi32>,
    %swap3A_278 = arith.constant 464 : index
    %swap3A_279 = tpu.vector_load %arg8[%swap3A_278] {strides = array<i32>} : memref<512xi32, #tpu.memory_space<vmem>>, vector<16xi32>,
    tpu.vector_store %arg8[%swap3A_278], %gather3A_277 {strides = array<i32>} : memref<512xi32, #tpu.memory_space<vmem>>, vector<16xi32>,
    %add3A_280 = arith.constant 480 : i32
    %add3A_281 = vector.broadcast %add3A_280 : i32 to vector<16xi32>
    %add3A_282 = arith.addi %add3A_281, %iota3A : vector<16xi32>
    %gather3A_283 = tpu.vector_load_idx %arg6[%add3A_282, %broadcast_in_dim3A_8] : memref<512x2xi32, #tpu.memory_space<vmem>>[vector<16xi32>, vector<16xi32>], vector<16xi32>,
    %swap3A_284 = arith.constant 480 : index
    %swap3A_285 = tpu.vector_load %arg7[%swap3A_284] {strides = array<i32>} : memref<512xi32, #tpu.memory_space<vmem>>, vector<16xi32>,
    tpu.vector_store %arg7[%swap3A_284], %gather3A_283 {strides = array<i32>} : memref<512xi32, #tpu.memory_space<vmem>>, vector<16xi32>,
    %gather3A_286 = tpu.vector_load_idx %arg6[%add3A_282, %add3A_11] : memref<512x2xi32, #tpu.memory_space<vmem>>[vector<16xi32>, vector<16xi32>], vector<16xi32>,
    %swap3A_287 = arith.constant 480 : index
    %swap3A_288 = tpu.vector_load %arg8[%swap3A_287] {strides = array<i32>} : memref<512xi32, #tpu.memory_space<vmem>>, vector<16xi32>,
    tpu.vector_store %arg8[%swap3A_287], %gather3A_286 {strides = array<i32>} : memref<512xi32, #tpu.memory_space<vmem>>, vector<16xi32>,
    %add3A_289 = arith.constant 496 : i32
    %add3A_290 = vector.broadcast %add3A_289 : i32 to vector<16xi32>
    %add3A_291 = arith.addi %add3A_290, %iota3A : vector<16xi32>
    %gather3A_292 = tpu.vector_load_idx %arg6[%add3A_291, %broadcast_in_dim3A_8] : memref<512x2xi32, #tpu.memory_space<vmem>>[vector<16xi32>, vector<16xi32>], vector<16xi32>,
    %swap3A_293 = arith.constant 496 : index
    %swap3A_294 = tpu.vector_load %arg7[%swap3A_293] {strides = array<i32>} : memref<512xi32, #tpu.memory_space<vmem>>, vector<16xi32>,
    tpu.vector_store %arg7[%swap3A_293], %gather3A_292 {strides = array<i32>} : memref<512xi32, #tpu.memory_space<vmem>>, vector<16xi32>,
    %gather3A_295 = tpu.vector_load_idx %arg6[%add3A_291, %add3A_11] : memref<512x2xi32, #tpu.memory_space<vmem>>[vector<16xi32>, vector<16xi32>], vector<16xi32>,
    %swap3A_296 = arith.constant 496 : index
    %swap3A_297 = tpu.vector_load %arg8[%swap3A_296] {strides = array<i32>} : memref<512xi32, #tpu.memory_space<vmem>>, vector<16xi32>,
    tpu.vector_store %arg8[%swap3A_296], %gather3A_295 {strides = array<i32>} : memref<512xi32, #tpu.memory_space<vmem>>, vector<16xi32>,
    %dma_start3A = arith.constant 0 : i32
    %dma_start3A_298 = tpu.memref_slice %arg7[%dma_start3A] : memref<512xi32, #tpu.memory_space<vmem>> -> memref<64xi32, #tpu.memory_space<vmem>>
    %dma_start3A_299 = arith.constant 0 : i32
    %dma_start3A_300 = arith.constant 0 : i32
    %dma_start3A_301 = tpu.memref_slice %arg3[%dma_start3A_299, %dma_start3A_300] : memref<100000x128xf32, #tpu.memory_space<hbm>> -> memref<100000x128xf32, #tpu.memory_space<hbm>>
    tpu.enqueue_indirect_dma source(%dma_start3A_301 : memref<100000x128xf32, #tpu.memory_space<hbm>>) target(%arg9 : memref<64x128xf32, #tpu.memory_space<vmem>>) offsets(%dma_start3A_298 : memref<64xi32, #tpu.memory_space<vmem>>) semaphore(%arg14 : memref<!tpu.dma_semaphore, #tpu.memory_space<semaphore_mem>>)
    %dma_start3A_302 = arith.constant 0 : i32
    %dma_start3A_303 = tpu.memref_slice %arg8[%dma_start3A_302] : memref<512xi32, #tpu.memory_space<vmem>> -> memref<64xi32, #tpu.memory_space<vmem>>
    %dma_start3A_304 = arith.constant 0 : i32
    %dma_start3A_305 = arith.constant 0 : i32
    %dma_start3A_306 = tpu.memref_slice %arg4[%dma_start3A_304, %dma_start3A_305] : memref<100000x128xf32, #tpu.memory_space<hbm>> -> memref<100000x128xf32, #tpu.memory_space<hbm>>
    tpu.enqueue_indirect_dma source(%dma_start3A_306 : memref<100000x128xf32, #tpu.memory_space<hbm>>) target(%arg11 : memref<64x128xf32, #tpu.memory_space<vmem>>) offsets(%dma_start3A_303 : memref<64xi32, #tpu.memory_space<vmem>>) semaphore(%arg16 : memref<!tpu.dma_semaphore, #tpu.memory_space<semaphore_mem>>)
    %dma_start3A_307 = arith.constant 64 : i32
    %dma_start3A_308 = tpu.memref_slice %arg7[%dma_start3A_307] : memref<512xi32, #tpu.memory_space<vmem>> -> memref<64xi32, #tpu.memory_space<vmem>>
    %dma_start3A_309 = arith.constant 0 : i32
    %dma_start3A_310 = arith.constant 0 : i32
    %dma_start3A_311 = tpu.memref_slice %arg3[%dma_start3A_309, %dma_start3A_310] : memref<100000x128xf32, #tpu.memory_space<hbm>> -> memref<100000x128xf32, #tpu.memory_space<hbm>>
    tpu.enqueue_indirect_dma source(%dma_start3A_311 : memref<100000x128xf32, #tpu.memory_space<hbm>>) target(%arg10 : memref<64x128xf32, #tpu.memory_space<vmem>>) offsets(%dma_start3A_308 : memref<64xi32, #tpu.memory_space<vmem>>) semaphore(%arg15 : memref<!tpu.dma_semaphore, #tpu.memory_space<semaphore_mem>>)
    %dma_start3A_312 = arith.constant 64 : i32
    %dma_start3A_313 = tpu.memref_slice %arg8[%dma_start3A_312] : memref<512xi32, #tpu.memory_space<vmem>> -> memref<64xi32, #tpu.memory_space<vmem>>
    %dma_start3A_314 = arith.constant 0 : i32
    %dma_start3A_315 = arith.constant 0 : i32
    %dma_start3A_316 = tpu.memref_slice %arg4[%dma_start3A_314, %dma_start3A_315] : memref<100000x128xf32, #tpu.memory_space<hbm>> -> memref<100000x128xf32, #tpu.memory_space<hbm>>
    tpu.enqueue_indirect_dma source(%dma_start3A_316 : memref<100000x128xf32, #tpu.memory_space<hbm>>) target(%arg12 : memref<64x128xf32, #tpu.memory_space<vmem>>) offsets(%dma_start3A_313 : memref<64xi32, #tpu.memory_space<vmem>>) semaphore(%arg17 : memref<!tpu.dma_semaphore, #tpu.memory_space<semaphore_mem>>)
    %scan3A = arith.constant 0 : i32
    %scan3A_317 = arith.constant 0 : i32
    %scan3A_318 = arith.constant 4 : i32
    %scan3A_319 = arith.addi %scan3A_317, %scan3A_318 : i32
    %scan3A_320 = arith.constant 1 : i32
    scf.for %scan3A_324 = %scan3A_317 to %scan3A_319 step %scan3A_320  : i32 {
      %mul3A_325 = arith.constant 2 : i32
      %mul3A_326 = arith.muli %scan3A_324, %mul3A_325 : i32
      %dma_wait3A = arith.constant 0 : i32
      %dma_wait3A_327 = tpu.memref_slice %arg7[%dma_wait3A] : memref<512xi32, #tpu.memory_space<vmem>> -> memref<64xi32, #tpu.memory_space<vmem>>
      %dma_wait3A_328 = arith.constant 0 : i32
      %dma_wait3A_329 = arith.constant 0 : i32
      %dma_wait3A_330 = tpu.memref_slice %arg3[%dma_wait3A_328, %dma_wait3A_329] : memref<100000x128xf32, #tpu.memory_space<hbm>> -> memref<100000x128xf32, #tpu.memory_space<hbm>>
      tpu.wait_indirect_dma semaphore(%arg14 : memref<!tpu.dma_semaphore, #tpu.memory_space<semaphore_mem>>) src(%dma_wait3A_330 : memref<100000x128xf32, #tpu.memory_space<hbm>>) dst(%arg9 : memref<64x128xf32, #tpu.memory_space<vmem>>)
      %dma_wait3A_331 = arith.constant 0 : i32
      %dma_wait3A_332 = tpu.memref_slice %arg8[%dma_wait3A_331] : memref<512xi32, #tpu.memory_space<vmem>> -> memref<64xi32, #tpu.memory_space<vmem>>
      %dma_wait3A_333 = arith.constant 0 : i32
      %dma_wait3A_334 = arith.constant 0 : i32
      %dma_wait3A_335 = tpu.memref_slice %arg4[%dma_wait3A_333, %dma_wait3A_334] : memref<100000x128xf32, #tpu.memory_space<hbm>> -> memref<100000x128xf32, #tpu.memory_space<hbm>>
      tpu.wait_indirect_dma semaphore(%arg16 : memref<!tpu.dma_semaphore, #tpu.memory_space<semaphore_mem>>) src(%dma_wait3A_335 : memref<100000x128xf32, #tpu.memory_space<hbm>>) dst(%arg11 : memref<64x128xf32, #tpu.memory_space<vmem>>)
      %parallel_loop3A = arith.constant 0 : i32
      %parallel_loop3A_336 = arith.constant 4 : i32
      %parallel_loop3A_337 = arith.constant 1 : i32
      scf.for %parallel_loop3A_366 = %parallel_loop3A to %parallel_loop3A_336 step %parallel_loop3A_337  : i32 {
        %parallel_loop3A_367 = arith.constant 16 : i32
        %parallel_loop3A_368 = arith.muli %parallel_loop3A_366, %parallel_loop3A_367 : i32
        %parallel_loop3A_369 = vector.broadcast %parallel_loop3A_368 : i32 to vector<16xi32>
        %parallel_loop3A_370 = arith.addi %parallel_loop3A_369, %iota3A : vector<16xi32>
        %parallel_loop3A_371 = arith.constant 0.000000e+00 : f32
        %parallel_loop3A_372 = vector.broadcast %parallel_loop3A_371 : f32 to vector<16xf32>
        %parallel_loop3A_373 = arith.constant 0 : i32
        %parallel_loop3A_374 = arith.constant 8 : i32
        %parallel_loop3A_375 = arith.constant 1 : i32
        %parallel_loop3A_376:2 = scf.for %parallel_loop3A_395 = %parallel_loop3A_373 to %parallel_loop3A_374 step %parallel_loop3A_375 iter_args(%parallel_loop3A_396 = %parallel_loop3A_372, %parallel_loop3A_397 = %parallel_loop3A_372) -> (vector<16xf32>, vector<16xf32>)  : i32 {
          %parallel_loop3A_398 = arith.constant 16 : i32
          %parallel_loop3A_399 = arith.muli %parallel_loop3A_395, %parallel_loop3A_398 : i32
          %parallel_loop3A_400 = vector.broadcast %parallel_loop3A_399 : i32 to vector<16xi32>
          %parallel_loop3A_401 = arith.addi %iota3A, %parallel_loop3A_400 : vector<16xi32>
          %parallel_loop3A_402 = tpu.vector_load_idx %arg9[%parallel_loop3A_370, %parallel_loop3A_401] : memref<64x128xf32, #tpu.memory_space<vmem>>[vector<16xi32>, vector<16xi32>], vector<16xf32>,
          %parallel_loop3A_403 = tpu.vector_load_idx %arg11[%parallel_loop3A_370, %parallel_loop3A_401] : memref<64x128xf32, #tpu.memory_space<vmem>>[vector<16xi32>, vector<16xi32>], vector<16xf32>,
          %parallel_loop3A_404 = arith.mulf %parallel_loop3A_402, %parallel_loop3A_403 : vector<16xf32>
          %parallel_loop3A_405 = arith.addf %parallel_loop3A_396, %parallel_loop3A_404 : vector<16xf32>
          %parallel_loop3A_406 = arith.constant 0 : i32
          %parallel_loop3A_407 = vector.broadcast %parallel_loop3A_406 : i32 to vector<16xi32>
          %parallel_loop3A_408 = arith.cmpi slt, %and3A_7, %parallel_loop3A_407 : vector<16xi32>
          %parallel_loop3A_409 = arith.constant 16 : i32
          %parallel_loop3A_410 = vector.broadcast %parallel_loop3A_409 : i32 to vector<16xi32>
          %parallel_loop3A_411 = arith.addi %and3A_7, %parallel_loop3A_410 : vector<16xi32>
          %parallel_loop3A_412 = arith.select %parallel_loop3A_408, %parallel_loop3A_411, %and3A_7 : vector<16xi1>, vector<16xi32>
          %parallel_loop3A_413 = vector.shape_cast %parallel_loop3A_412 : vector<16xi32> to vector<16x1xi32>
          %parallel_loop3A_414 = vector.shape_cast %parallel_loop3A_413 : vector<16x1xi32> to vector<16xi32>
          %parallel_loop3A_415 = tpu.dynamic_gather %iota3A[%parallel_loop3A_414] in [0] : vector<16xi32>, vector<16xi32> -> vector<16xi32>
          %parallel_loop3A_416 = arith.addi %parallel_loop3A_415, %parallel_loop3A_400 : vector<16xi32>
          %parallel_loop3A_417 = tpu.vector_load_idx %arg9[%parallel_loop3A_370, %parallel_loop3A_416] : memref<64x128xf32, #tpu.memory_space<vmem>>[vector<16xi32>, vector<16xi32>], vector<16xf32>,
          %parallel_loop3A_418 = tpu.vector_load_idx %arg11[%parallel_loop3A_370, %parallel_loop3A_416] : memref<64x128xf32, #tpu.memory_space<vmem>>[vector<16xi32>, vector<16xi32>], vector<16xf32>,
          %parallel_loop3A_419 = arith.mulf %parallel_loop3A_417, %parallel_loop3A_418 : vector<16xf32>
          %parallel_loop3A_420 = arith.addf %parallel_loop3A_397, %parallel_loop3A_419 : vector<16xf32>
          %parallel_loop3A_421 = arith.constant 0 : i32
          %parallel_loop3A_422 = vector.broadcast %parallel_loop3A_421 : i32 to vector<16xi32>
          %parallel_loop3A_423 = arith.cmpi slt, %and3A_7, %parallel_loop3A_422 : vector<16xi32>
          %parallel_loop3A_424 = arith.constant 16 : i32
          %parallel_loop3A_425 = vector.broadcast %parallel_loop3A_424 : i32 to vector<16xi32>
          %parallel_loop3A_426 = arith.addi %and3A_7, %parallel_loop3A_425 : vector<16xi32>
          %parallel_loop3A_427 = arith.select %parallel_loop3A_423, %parallel_loop3A_426, %and3A_7 : vector<16xi1>, vector<16xi32>
          %parallel_loop3A_428 = vector.shape_cast %parallel_loop3A_427 : vector<16xi32> to vector<16x1xi32>
          %parallel_loop3A_429 = vector.shape_cast %parallel_loop3A_428 : vector<16x1xi32> to vector<16xi32>
          %parallel_loop3A_430 = tpu.dynamic_gather %parallel_loop3A_415[%parallel_loop3A_429] in [0] : vector<16xi32>, vector<16xi32> -> vector<16xi32>
          %parallel_loop3A_431 = arith.addi %parallel_loop3A_430, %parallel_loop3A_400 : vector<16xi32>
          %parallel_loop3A_432 = tpu.vector_load_idx %arg9[%parallel_loop3A_370, %parallel_loop3A_431] : memref<64x128xf32, #tpu.memory_space<vmem>>[vector<16xi32>, vector<16xi32>], vector<16xf32>,
          %parallel_loop3A_433 = tpu.vector_load_idx %arg11[%parallel_loop3A_370, %parallel_loop3A_431] : memref<64x128xf32, #tpu.memory_space<vmem>>[vector<16xi32>, vector<16xi32>], vector<16xf32>,
          %parallel_loop3A_434 = arith.mulf %parallel_loop3A_432, %parallel_loop3A_433 : vector<16xf32>
          %parallel_loop3A_435 = arith.addf %parallel_loop3A_405, %parallel_loop3A_434 : vector<16xf32>
          %parallel_loop3A_436 = arith.constant 0 : i32
          %parallel_loop3A_437 = vector.broadcast %parallel_loop3A_436 : i32 to vector<16xi32>
          %parallel_loop3A_438 = arith.cmpi slt, %and3A_7, %parallel_loop3A_437 : vector<16xi32>
          %parallel_loop3A_439 = arith.constant 16 : i32
          %parallel_loop3A_440 = vector.broadcast %parallel_loop3A_439 : i32 to vector<16xi32>
          %parallel_loop3A_441 = arith.addi %and3A_7, %parallel_loop3A_440 : vector<16xi32>
          %parallel_loop3A_442 = arith.select %parallel_loop3A_438, %parallel_loop3A_441, %and3A_7 : vector<16xi1>, vector<16xi32>
          %parallel_loop3A_443 = vector.shape_cast %parallel_loop3A_442 : vector<16xi32> to vector<16x1xi32>
          %parallel_loop3A_444 = vector.shape_cast %parallel_loop3A_443 : vector<16x1xi32> to vector<16xi32>
          %parallel_loop3A_445 = tpu.dynamic_gather %parallel_loop3A_430[%parallel_loop3A_444] in [0] : vector<16xi32>, vector<16xi32> -> vector<16xi32>
          %parallel_loop3A_446 = arith.addi %parallel_loop3A_445, %parallel_loop3A_400 : vector<16xi32>
          %parallel_loop3A_447 = tpu.vector_load_idx %arg9[%parallel_loop3A_370, %parallel_loop3A_446] : memref<64x128xf32, #tpu.memory_space<vmem>>[vector<16xi32>, vector<16xi32>], vector<16xf32>,
          %parallel_loop3A_448 = tpu.vector_load_idx %arg11[%parallel_loop3A_370, %parallel_loop3A_446] : memref<64x128xf32, #tpu.memory_space<vmem>>[vector<16xi32>, vector<16xi32>], vector<16xf32>,
          %parallel_loop3A_449 = arith.mulf %parallel_loop3A_447, %parallel_loop3A_448 : vector<16xf32>
          %parallel_loop3A_450 = arith.addf %parallel_loop3A_420, %parallel_loop3A_449 : vector<16xf32>
          %parallel_loop3A_451 = arith.constant 0 : i32
          %parallel_loop3A_452 = vector.broadcast %parallel_loop3A_451 : i32 to vector<16xi32>
          %parallel_loop3A_453 = arith.cmpi slt, %and3A_7, %parallel_loop3A_452 : vector<16xi32>
          %parallel_loop3A_454 = arith.constant 16 : i32
          %parallel_loop3A_455 = vector.broadcast %parallel_loop3A_454 : i32 to vector<16xi32>
          %parallel_loop3A_456 = arith.addi %and3A_7, %parallel_loop3A_455 : vector<16xi32>
          %parallel_loop3A_457 = arith.select %parallel_loop3A_453, %parallel_loop3A_456, %and3A_7 : vector<16xi1>, vector<16xi32>
          %parallel_loop3A_458 = vector.shape_cast %parallel_loop3A_457 : vector<16xi32> to vector<16x1xi32>
          %parallel_loop3A_459 = vector.shape_cast %parallel_loop3A_458 : vector<16x1xi32> to vector<16xi32>
          %parallel_loop3A_460 = tpu.dynamic_gather %parallel_loop3A_445[%parallel_loop3A_459] in [0] : vector<16xi32>, vector<16xi32> -> vector<16xi32>
          %parallel_loop3A_461 = arith.addi %parallel_loop3A_460, %parallel_loop3A_400 : vector<16xi32>
          %parallel_loop3A_462 = tpu.vector_load_idx %arg9[%parallel_loop3A_370, %parallel_loop3A_461] : memref<64x128xf32, #tpu.memory_space<vmem>>[vector<16xi32>, vector<16xi32>], vector<16xf32>,
          %parallel_loop3A_463 = tpu.vector_load_idx %arg11[%parallel_loop3A_370, %parallel_loop3A_461] : memref<64x128xf32, #tpu.memory_space<vmem>>[vector<16xi32>, vector<16xi32>], vector<16xf32>,
          %parallel_loop3A_464 = arith.mulf %parallel_loop3A_462, %parallel_loop3A_463 : vector<16xf32>
          %parallel_loop3A_465 = arith.addf %parallel_loop3A_435, %parallel_loop3A_464 : vector<16xf32>
          %parallel_loop3A_466 = arith.constant 0 : i32
          %parallel_loop3A_467 = vector.broadcast %parallel_loop3A_466 : i32 to vector<16xi32>
          %parallel_loop3A_468 = arith.cmpi slt, %and3A_7, %parallel_loop3A_467 : vector<16xi32>
          %parallel_loop3A_469 = arith.constant 16 : i32
          %parallel_loop3A_470 = vector.broadcast %parallel_loop3A_469 : i32 to vector<16xi32>
          %parallel_loop3A_471 = arith.addi %and3A_7, %parallel_loop3A_470 : vector<16xi32>
          %parallel_loop3A_472 = arith.select %parallel_loop3A_468, %parallel_loop3A_471, %and3A_7 : vector<16xi1>, vector<16xi32>
          %parallel_loop3A_473 = vector.shape_cast %parallel_loop3A_472 : vector<16xi32> to vector<16x1xi32>
          %parallel_loop3A_474 = vector.shape_cast %parallel_loop3A_473 : vector<16x1xi32> to vector<16xi32>
          %parallel_loop3A_475 = tpu.dynamic_gather %parallel_loop3A_460[%parallel_loop3A_474] in [0] : vector<16xi32>, vector<16xi32> -> vector<16xi32>
          %parallel_loop3A_476 = arith.addi %parallel_loop3A_475, %parallel_loop3A_400 : vector<16xi32>
          %parallel_loop3A_477 = tpu.vector_load_idx %arg9[%parallel_loop3A_370, %parallel_loop3A_476] : memref<64x128xf32, #tpu.memory_space<vmem>>[vector<16xi32>, vector<16xi32>], vector<16xf32>,
          %parallel_loop3A_478 = tpu.vector_load_idx %arg11[%parallel_loop3A_370, %parallel_loop3A_476] : memref<64x128xf32, #tpu.memory_space<vmem>>[vector<16xi32>, vector<16xi32>], vector<16xf32>,
          %parallel_loop3A_479 = arith.mulf %parallel_loop3A_477, %parallel_loop3A_478 : vector<16xf32>
          %parallel_loop3A_480 = arith.addf %parallel_loop3A_450, %parallel_loop3A_479 : vector<16xf32>
          %parallel_loop3A_481 = arith.constant 0 : i32
          %parallel_loop3A_482 = vector.broadcast %parallel_loop3A_481 : i32 to vector<16xi32>
          %parallel_loop3A_483 = arith.cmpi slt, %and3A_7, %parallel_loop3A_482 : vector<16xi32>
          %parallel_loop3A_484 = arith.constant 16 : i32
          %parallel_loop3A_485 = vector.broadcast %parallel_loop3A_484 : i32 to vector<16xi32>
          %parallel_loop3A_486 = arith.addi %and3A_7, %parallel_loop3A_485 : vector<16xi32>
          %parallel_loop3A_487 = arith.select %parallel_loop3A_483, %parallel_loop3A_486, %and3A_7 : vector<16xi1>, vector<16xi32>
          %parallel_loop3A_488 = vector.shape_cast %parallel_loop3A_487 : vector<16xi32> to vector<16x1xi32>
          %parallel_loop3A_489 = vector.shape_cast %parallel_loop3A_488 : vector<16x1xi32> to vector<16xi32>
          %parallel_loop3A_490 = tpu.dynamic_gather %parallel_loop3A_475[%parallel_loop3A_489] in [0] : vector<16xi32>, vector<16xi32> -> vector<16xi32>
          %parallel_loop3A_491 = arith.addi %parallel_loop3A_490, %parallel_loop3A_400 : vector<16xi32>
          %parallel_loop3A_492 = tpu.vector_load_idx %arg9[%parallel_loop3A_370, %parallel_loop3A_491] : memref<64x128xf32, #tpu.memory_space<vmem>>[vector<16xi32>, vector<16xi32>], vector<16xf32>,
          %parallel_loop3A_493 = tpu.vector_load_idx %arg11[%parallel_loop3A_370, %parallel_loop3A_491] : memref<64x128xf32, #tpu.memory_space<vmem>>[vector<16xi32>, vector<16xi32>], vector<16xf32>,
          %parallel_loop3A_494 = arith.mulf %parallel_loop3A_492, %parallel_loop3A_493 : vector<16xf32>
          %parallel_loop3A_495 = arith.addf %parallel_loop3A_465, %parallel_loop3A_494 : vector<16xf32>
          %parallel_loop3A_496 = arith.constant 0 : i32
          %parallel_loop3A_497 = vector.broadcast %parallel_loop3A_496 : i32 to vector<16xi32>
          %parallel_loop3A_498 = arith.cmpi slt, %and3A_7, %parallel_loop3A_497 : vector<16xi32>
          %parallel_loop3A_499 = arith.constant 16 : i32
          %parallel_loop3A_500 = vector.broadcast %parallel_loop3A_499 : i32 to vector<16xi32>
          %parallel_loop3A_501 = arith.addi %and3A_7, %parallel_loop3A_500 : vector<16xi32>
          %parallel_loop3A_502 = arith.select %parallel_loop3A_498, %parallel_loop3A_501, %and3A_7 : vector<16xi1>, vector<16xi32>
          %parallel_loop3A_503 = vector.shape_cast %parallel_loop3A_502 : vector<16xi32> to vector<16x1xi32>
          %parallel_loop3A_504 = vector.shape_cast %parallel_loop3A_503 : vector<16x1xi32> to vector<16xi32>
          %parallel_loop3A_505 = tpu.dynamic_gather %parallel_loop3A_490[%parallel_loop3A_504] in [0] : vector<16xi32>, vector<16xi32> -> vector<16xi32>
          %parallel_loop3A_506 = arith.addi %parallel_loop3A_505, %parallel_loop3A_400 : vector<16xi32>
          %parallel_loop3A_507 = tpu.vector_load_idx %arg9[%parallel_loop3A_370, %parallel_loop3A_506] : memref<64x128xf32, #tpu.memory_space<vmem>>[vector<16xi32>, vector<16xi32>], vector<16xf32>,
          %parallel_loop3A_508 = tpu.vector_load_idx %arg11[%parallel_loop3A_370, %parallel_loop3A_506] : memref<64x128xf32, #tpu.memory_space<vmem>>[vector<16xi32>, vector<16xi32>], vector<16xf32>,
          %parallel_loop3A_509 = arith.mulf %parallel_loop3A_507, %parallel_loop3A_508 : vector<16xf32>
          %parallel_loop3A_510 = arith.addf %parallel_loop3A_480, %parallel_loop3A_509 : vector<16xf32>
          %parallel_loop3A_511 = arith.constant 0 : i32
          %parallel_loop3A_512 = vector.broadcast %parallel_loop3A_511 : i32 to vector<16xi32>
          %parallel_loop3A_513 = arith.cmpi slt, %and3A_7, %parallel_loop3A_512 : vector<16xi32>
          %parallel_loop3A_514 = arith.constant 16 : i32
          %parallel_loop3A_515 = vector.broadcast %parallel_loop3A_514 : i32 to vector<16xi32>
          %parallel_loop3A_516 = arith.addi %and3A_7, %parallel_loop3A_515 : vector<16xi32>
          %parallel_loop3A_517 = arith.select %parallel_loop3A_513, %parallel_loop3A_516, %and3A_7 : vector<16xi1>, vector<16xi32>
          %parallel_loop3A_518 = vector.shape_cast %parallel_loop3A_517 : vector<16xi32> to vector<16x1xi32>
          %parallel_loop3A_519 = vector.shape_cast %parallel_loop3A_518 : vector<16x1xi32> to vector<16xi32>
          %parallel_loop3A_520 = tpu.dynamic_gather %parallel_loop3A_505[%parallel_loop3A_519] in [0] : vector<16xi32>, vector<16xi32> -> vector<16xi32>
          %parallel_loop3A_521 = arith.addi %parallel_loop3A_520, %parallel_loop3A_400 : vector<16xi32>
          %parallel_loop3A_522 = tpu.vector_load_idx %arg9[%parallel_loop3A_370, %parallel_loop3A_521] : memref<64x128xf32, #tpu.memory_space<vmem>>[vector<16xi32>, vector<16xi32>], vector<16xf32>,
          %parallel_loop3A_523 = tpu.vector_load_idx %arg11[%parallel_loop3A_370, %parallel_loop3A_521] : memref<64x128xf32, #tpu.memory_space<vmem>>[vector<16xi32>, vector<16xi32>], vector<16xf32>,
          %parallel_loop3A_524 = arith.mulf %parallel_loop3A_522, %parallel_loop3A_523 : vector<16xf32>
          %parallel_loop3A_525 = arith.addf %parallel_loop3A_495, %parallel_loop3A_524 : vector<16xf32>
          %parallel_loop3A_526 = arith.constant 0 : i32
          %parallel_loop3A_527 = vector.broadcast %parallel_loop3A_526 : i32 to vector<16xi32>
          %parallel_loop3A_528 = arith.cmpi slt, %and3A_7, %parallel_loop3A_527 : vector<16xi32>
          %parallel_loop3A_529 = arith.constant 16 : i32
          %parallel_loop3A_530 = vector.broadcast %parallel_loop3A_529 : i32 to vector<16xi32>
          %parallel_loop3A_531 = arith.addi %and3A_7, %parallel_loop3A_530 : vector<16xi32>
          %parallel_loop3A_532 = arith.select %parallel_loop3A_528, %parallel_loop3A_531, %and3A_7 : vector<16xi1>, vector<16xi32>
          %parallel_loop3A_533 = vector.shape_cast %parallel_loop3A_532 : vector<16xi32> to vector<16x1xi32>
          %parallel_loop3A_534 = vector.shape_cast %parallel_loop3A_533 : vector<16x1xi32> to vector<16xi32>
          %parallel_loop3A_535 = tpu.dynamic_gather %parallel_loop3A_520[%parallel_loop3A_534] in [0] : vector<16xi32>, vector<16xi32> -> vector<16xi32>
          %parallel_loop3A_536 = arith.addi %parallel_loop3A_535, %parallel_loop3A_400 : vector<16xi32>
          %parallel_loop3A_537 = tpu.vector_load_idx %arg9[%parallel_loop3A_370, %parallel_loop3A_536] : memref<64x128xf32, #tpu.memory_space<vmem>>[vector<16xi32>, vector<16xi32>], vector<16xf32>,
          %parallel_loop3A_538 = tpu.vector_load_idx %arg11[%parallel_loop3A_370, %parallel_loop3A_536] : memref<64x128xf32, #tpu.memory_space<vmem>>[vector<16xi32>, vector<16xi32>], vector<16xf32>,
          %parallel_loop3A_539 = arith.mulf %parallel_loop3A_537, %parallel_loop3A_538 : vector<16xf32>
          %parallel_loop3A_540 = arith.addf %parallel_loop3A_510, %parallel_loop3A_539 : vector<16xf32>
          %parallel_loop3A_541 = arith.constant 0 : i32
          %parallel_loop3A_542 = vector.broadcast %parallel_loop3A_541 : i32 to vector<16xi32>
          %parallel_loop3A_543 = arith.cmpi slt, %and3A_7, %parallel_loop3A_542 : vector<16xi32>
          %parallel_loop3A_544 = arith.constant 16 : i32
          %parallel_loop3A_545 = vector.broadcast %parallel_loop3A_544 : i32 to vector<16xi32>
          %parallel_loop3A_546 = arith.addi %and3A_7, %parallel_loop3A_545 : vector<16xi32>
          %parallel_loop3A_547 = arith.select %parallel_loop3A_543, %parallel_loop3A_546, %and3A_7 : vector<16xi1>, vector<16xi32>
          %parallel_loop3A_548 = vector.shape_cast %parallel_loop3A_547 : vector<16xi32> to vector<16x1xi32>
          %parallel_loop3A_549 = vector.shape_cast %parallel_loop3A_548 : vector<16x1xi32> to vector<16xi32>
          %parallel_loop3A_550 = tpu.dynamic_gather %parallel_loop3A_535[%parallel_loop3A_549] in [0] : vector<16xi32>, vector<16xi32> -> vector<16xi32>
          %parallel_loop3A_551 = arith.addi %parallel_loop3A_550, %parallel_loop3A_400 : vector<16xi32>
          %parallel_loop3A_552 = tpu.vector_load_idx %arg9[%parallel_loop3A_370, %parallel_loop3A_551] : memref<64x128xf32, #tpu.memory_space<vmem>>[vector<16xi32>, vector<16xi32>], vector<16xf32>,
          %parallel_loop3A_553 = tpu.vector_load_idx %arg11[%parallel_loop3A_370, %parallel_loop3A_551] : memref<64x128xf32, #tpu.memory_space<vmem>>[vector<16xi32>, vector<16xi32>], vector<16xf32>,
          %parallel_loop3A_554 = arith.mulf %parallel_loop3A_552, %parallel_loop3A_553 : vector<16xf32>
          %parallel_loop3A_555 = arith.addf %parallel_loop3A_525, %parallel_loop3A_554 : vector<16xf32>
          %parallel_loop3A_556 = arith.constant 0 : i32
          %parallel_loop3A_557 = vector.broadcast %parallel_loop3A_556 : i32 to vector<16xi32>
          %parallel_loop3A_558 = arith.cmpi slt, %and3A_7, %parallel_loop3A_557 : vector<16xi32>
          %parallel_loop3A_559 = arith.constant 16 : i32
          %parallel_loop3A_560 = vector.broadcast %parallel_loop3A_559 : i32 to vector<16xi32>
          %parallel_loop3A_561 = arith.addi %and3A_7, %parallel_loop3A_560 : vector<16xi32>
          %parallel_loop3A_562 = arith.select %parallel_loop3A_558, %parallel_loop3A_561, %and3A_7 : vector<16xi1>, vector<16xi32>
          %parallel_loop3A_563 = vector.shape_cast %parallel_loop3A_562 : vector<16xi32> to vector<16x1xi32>
          %parallel_loop3A_564 = vector.shape_cast %parallel_loop3A_563 : vector<16x1xi32> to vector<16xi32>
          %parallel_loop3A_565 = tpu.dynamic_gather %parallel_loop3A_550[%parallel_loop3A_564] in [0] : vector<16xi32>, vector<16xi32> -> vector<16xi32>
          %parallel_loop3A_566 = arith.addi %parallel_loop3A_565, %parallel_loop3A_400 : vector<16xi32>
          %parallel_loop3A_567 = tpu.vector_load_idx %arg9[%parallel_loop3A_370, %parallel_loop3A_566] : memref<64x128xf32, #tpu.memory_space<vmem>>[vector<16xi32>, vector<16xi32>], vector<16xf32>,
          %parallel_loop3A_568 = tpu.vector_load_idx %arg11[%parallel_loop3A_370, %parallel_loop3A_566] : memref<64x128xf32, #tpu.memory_space<vmem>>[vector<16xi32>, vector<16xi32>], vector<16xf32>,
          %parallel_loop3A_569 = arith.mulf %parallel_loop3A_567, %parallel_loop3A_568 : vector<16xf32>
          %parallel_loop3A_570 = arith.addf %parallel_loop3A_540, %parallel_loop3A_569 : vector<16xf32>
          %parallel_loop3A_571 = arith.constant 0 : i32
          %parallel_loop3A_572 = vector.broadcast %parallel_loop3A_571 : i32 to vector<16xi32>
          %parallel_loop3A_573 = arith.cmpi slt, %and3A_7, %parallel_loop3A_572 : vector<16xi32>
          %parallel_loop3A_574 = arith.constant 16 : i32
          %parallel_loop3A_575 = vector.broadcast %parallel_loop3A_574 : i32 to vector<16xi32>
          %parallel_loop3A_576 = arith.addi %and3A_7, %parallel_loop3A_575 : vector<16xi32>
          %parallel_loop3A_577 = arith.select %parallel_loop3A_573, %parallel_loop3A_576, %and3A_7 : vector<16xi1>, vector<16xi32>
          %parallel_loop3A_578 = vector.shape_cast %parallel_loop3A_577 : vector<16xi32> to vector<16x1xi32>
          %parallel_loop3A_579 = vector.shape_cast %parallel_loop3A_578 : vector<16x1xi32> to vector<16xi32>
          %parallel_loop3A_580 = tpu.dynamic_gather %parallel_loop3A_565[%parallel_loop3A_579] in [0] : vector<16xi32>, vector<16xi32> -> vector<16xi32>
          %parallel_loop3A_581 = arith.addi %parallel_loop3A_580, %parallel_loop3A_400 : vector<16xi32>
          %parallel_loop3A_582 = tpu.vector_load_idx %arg9[%parallel_loop3A_370, %parallel_loop3A_581] : memref<64x128xf32, #tpu.memory_space<vmem>>[vector<16xi32>, vector<16xi32>], vector<16xf32>,
          %parallel_loop3A_583 = tpu.vector_load_idx %arg11[%parallel_loop3A_370, %parallel_loop3A_581] : memref<64x128xf32, #tpu.memory_space<vmem>>[vector<16xi32>, vector<16xi32>], vector<16xf32>,
          %parallel_loop3A_584 = arith.mulf %parallel_loop3A_582, %parallel_loop3A_583 : vector<16xf32>
          %parallel_loop3A_585 = arith.addf %parallel_loop3A_555, %parallel_loop3A_584 : vector<16xf32>
          %parallel_loop3A_586 = arith.constant 0 : i32
          %parallel_loop3A_587 = vector.broadcast %parallel_loop3A_586 : i32 to vector<16xi32>
          %parallel_loop3A_588 = arith.cmpi slt, %and3A_7, %parallel_loop3A_587 : vector<16xi32>
          %parallel_loop3A_589 = arith.constant 16 : i32
          %parallel_loop3A_590 = vector.broadcast %parallel_loop3A_589 : i32 to vector<16xi32>
          %parallel_loop3A_591 = arith.addi %and3A_7, %parallel_loop3A_590 : vector<16xi32>
          %parallel_loop3A_592 = arith.select %parallel_loop3A_588, %parallel_loop3A_591, %and3A_7 : vector<16xi1>, vector<16xi32>
          %parallel_loop3A_593 = vector.shape_cast %parallel_loop3A_592 : vector<16xi32> to vector<16x1xi32>
          %parallel_loop3A_594 = vector.shape_cast %parallel_loop3A_593 : vector<16x1xi32> to vector<16xi32>
          %parallel_loop3A_595 = tpu.dynamic_gather %parallel_loop3A_580[%parallel_loop3A_594] in [0] : vector<16xi32>, vector<16xi32> -> vector<16xi32>
          %parallel_loop3A_596 = arith.addi %parallel_loop3A_595, %parallel_loop3A_400 : vector<16xi32>
          %parallel_loop3A_597 = tpu.vector_load_idx %arg9[%parallel_loop3A_370, %parallel_loop3A_596] : memref<64x128xf32, #tpu.memory_space<vmem>>[vector<16xi32>, vector<16xi32>], vector<16xf32>,
          %parallel_loop3A_598 = tpu.vector_load_idx %arg11[%parallel_loop3A_370, %parallel_loop3A_596] : memref<64x128xf32, #tpu.memory_space<vmem>>[vector<16xi32>, vector<16xi32>], vector<16xf32>,
          %parallel_loop3A_599 = arith.mulf %parallel_loop3A_597, %parallel_loop3A_598 : vector<16xf32>
          %parallel_loop3A_600 = arith.addf %parallel_loop3A_570, %parallel_loop3A_599 : vector<16xf32>
          %parallel_loop3A_601 = arith.constant 0 : i32
          %parallel_loop3A_602 = vector.broadcast %parallel_loop3A_601 : i32 to vector<16xi32>
          %parallel_loop3A_603 = arith.cmpi slt, %and3A_7, %parallel_loop3A_602 : vector<16xi32>
          %parallel_loop3A_604 = arith.constant 16 : i32
          %parallel_loop3A_605 = vector.broadcast %parallel_loop3A_604 : i32 to vector<16xi32>
          %parallel_loop3A_606 = arith.addi %and3A_7, %parallel_loop3A_605 : vector<16xi32>
          %parallel_loop3A_607 = arith.select %parallel_loop3A_603, %parallel_loop3A_606, %and3A_7 : vector<16xi1>, vector<16xi32>
          %parallel_loop3A_608 = vector.shape_cast %parallel_loop3A_607 : vector<16xi32> to vector<16x1xi32>
          %parallel_loop3A_609 = vector.shape_cast %parallel_loop3A_608 : vector<16x1xi32> to vector<16xi32>
          %parallel_loop3A_610 = tpu.dynamic_gather %parallel_loop3A_595[%parallel_loop3A_609] in [0] : vector<16xi32>, vector<16xi32> -> vector<16xi32>
          %parallel_loop3A_611 = arith.addi %parallel_loop3A_610, %parallel_loop3A_400 : vector<16xi32>
          %parallel_loop3A_612 = tpu.vector_load_idx %arg9[%parallel_loop3A_370, %parallel_loop3A_611] : memref<64x128xf32, #tpu.memory_space<vmem>>[vector<16xi32>, vector<16xi32>], vector<16xf32>,
          %parallel_loop3A_613 = tpu.vector_load_idx %arg11[%parallel_loop3A_370, %parallel_loop3A_611] : memref<64x128xf32, #tpu.memory_space<vmem>>[vector<16xi32>, vector<16xi32>], vector<16xf32>,
          %parallel_loop3A_614 = arith.mulf %parallel_loop3A_612, %parallel_loop3A_613 : vector<16xf32>
          %parallel_loop3A_615 = arith.addf %parallel_loop3A_585, %parallel_loop3A_614 : vector<16xf32>
          %parallel_loop3A_616 = arith.constant 0 : i32
          %parallel_loop3A_617 = vector.broadcast %parallel_loop3A_616 : i32 to vector<16xi32>
          %parallel_loop3A_618 = arith.cmpi slt, %and3A_7, %parallel_loop3A_617 : vector<16xi32>
          %parallel_loop3A_619 = arith.constant 16 : i32
          %parallel_loop3A_620 = vector.broadcast %parallel_loop3A_619 : i32 to vector<16xi32>
          %parallel_loop3A_621 = arith.addi %and3A_7, %parallel_loop3A_620 : vector<16xi32>
          %parallel_loop3A_622 = arith.select %parallel_loop3A_618, %parallel_loop3A_621, %and3A_7 : vector<16xi1>, vector<16xi32>
          %parallel_loop3A_623 = vector.shape_cast %parallel_loop3A_622 : vector<16xi32> to vector<16x1xi32>
          %parallel_loop3A_624 = vector.shape_cast %parallel_loop3A_623 : vector<16x1xi32> to vector<16xi32>
          %parallel_loop3A_625 = tpu.dynamic_gather %parallel_loop3A_610[%parallel_loop3A_624] in [0] : vector<16xi32>, vector<16xi32> -> vector<16xi32>
          %parallel_loop3A_626 = arith.addi %parallel_loop3A_625, %parallel_loop3A_400 : vector<16xi32>
          %parallel_loop3A_627 = tpu.vector_load_idx %arg9[%parallel_loop3A_370, %parallel_loop3A_626] : memref<64x128xf32, #tpu.memory_space<vmem>>[vector<16xi32>, vector<16xi32>], vector<16xf32>,
          %parallel_loop3A_628 = tpu.vector_load_idx %arg11[%parallel_loop3A_370, %parallel_loop3A_626] : memref<64x128xf32, #tpu.memory_space<vmem>>[vector<16xi32>, vector<16xi32>], vector<16xf32>,
          %parallel_loop3A_629 = arith.mulf %parallel_loop3A_627, %parallel_loop3A_628 : vector<16xf32>
          %parallel_loop3A_630 = arith.addf %parallel_loop3A_600, %parallel_loop3A_629 : vector<16xf32>
          scf.yield %parallel_loop3A_615, %parallel_loop3A_630 : vector<16xf32>, vector<16xf32>
        } {sc.loop_unroll_factor = 2 : i64, sc.parallel_access}
        %parallel_loop3A_377 = arith.addf %parallel_loop3A_376#0, %parallel_loop3A_376#1 : vector<16xf32>
        %parallel_loop3A_378 = arith.constant 0.000000e+00 : f32
        %parallel_loop3A_379 = vector.broadcast %parallel_loop3A_378 : f32 to vector<16xf32>
        %parallel_loop3A_380 = arith.subf %parallel_loop3A_379, %parallel_loop3A_377 : vector<16xf32>
        %parallel_loop3A_381 = math.exp %parallel_loop3A_380 : vector<16xf32>
        %parallel_loop3A_382 = arith.constant 1.000000e+00 : f32
        %parallel_loop3A_383 = vector.broadcast %parallel_loop3A_382 : f32 to vector<16xf32>
        %parallel_loop3A_384 = arith.addf %parallel_loop3A_383, %parallel_loop3A_381 : vector<16xf32>
        %parallel_loop3A_385 = arith.constant 1.000000e+00 : f32
        %parallel_loop3A_386 = vector.broadcast %parallel_loop3A_385 : f32 to vector<16xf32>
        %parallel_loop3A_387 = arith.divf %parallel_loop3A_386, %parallel_loop3A_384 : vector<16xf32>
        %parallel_loop3A_388 = arith.constant 4 : i32
        %parallel_loop3A_389 = arith.muli %mul3A_326, %parallel_loop3A_388 : i32
        %parallel_loop3A_390 = arith.addi %parallel_loop3A_389, %parallel_loop3A_366 : i32
        %parallel_loop3A_391 = arith.constant 16 : i32
        %parallel_loop3A_392 = arith.muli %parallel_loop3A_390, %parallel_loop3A_391 : i32
        %parallel_loop3A_393 = arith.index_cast %parallel_loop3A_392 : i32 to index
        %parallel_loop3A_394 = tpu.vector_load %arg13[%parallel_loop3A_393] {strides = array<i32>} : memref<512xf32, #tpu.memory_space<vmem>>, vector<16xf32>,
        tpu.vector_store %arg13[%parallel_loop3A_393], %parallel_loop3A_387 {strides = array<i32>} : memref<512xf32, #tpu.memory_space<vmem>>, vector<16xf32>,
      } {sc.loop_unroll_factor = 1 : i64, sc.parallel_access}
      %add3A_338 = arith.constant 2 : i32
      %add3A_339 = arith.addi %mul3A_326, %add3A_338 : i32
      %lt3A = arith.constant 8 : i32
      %lt3A_340 = arith.cmpi slt, %add3A_339, %lt3A : i32
      %convert_element_type3A = arith.extui %lt3A_340 : i1 to i32
      %cond3A = arith.constant 0 : i32
      %cond3A_341 = arith.cmpi ne, %convert_element_type3A, %cond3A : i32
      scf.if %cond3A_341 {
        %add3A_366 = arith.constant 2 : i32
        %add3A_367 = arith.addi %mul3A_326, %add3A_366 : i32
        %mul3A_368 = arith.constant 64 : i32
        %mul3A_369 = arith.muli %add3A_367, %mul3A_368 : i32
        %dma_start3A_370 = tpu.memref_slice %arg7[%mul3A_369] : memref<512xi32, #tpu.memory_space<vmem>> -> memref<64xi32, #tpu.memory_space<vmem>>
        %dma_start3A_371 = arith.constant 0 : i32
        %dma_start3A_372 = arith.constant 0 : i32
        %dma_start3A_373 = tpu.memref_slice %arg3[%dma_start3A_371, %dma_start3A_372] : memref<100000x128xf32, #tpu.memory_space<hbm>> -> memref<100000x128xf32, #tpu.memory_space<hbm>>
        tpu.enqueue_indirect_dma source(%dma_start3A_373 : memref<100000x128xf32, #tpu.memory_space<hbm>>) target(%arg9 : memref<64x128xf32, #tpu.memory_space<vmem>>) offsets(%dma_start3A_370 : memref<64xi32, #tpu.memory_space<vmem>>) semaphore(%arg14 : memref<!tpu.dma_semaphore, #tpu.memory_space<semaphore_mem>>)
        %mul3A_374 = arith.constant 64 : i32
        %mul3A_375 = arith.muli %add3A_367, %mul3A_374 : i32
        %dma_start3A_376 = tpu.memref_slice %arg8[%mul3A_375] : memref<512xi32, #tpu.memory_space<vmem>> -> memref<64xi32, #tpu.memory_space<vmem>>
        %dma_start3A_377 = arith.constant 0 : i32
        %dma_start3A_378 = arith.constant 0 : i32
        %dma_start3A_379 = tpu.memref_slice %arg4[%dma_start3A_377, %dma_start3A_378] : memref<100000x128xf32, #tpu.memory_space<hbm>> -> memref<100000x128xf32, #tpu.memory_space<hbm>>
        tpu.enqueue_indirect_dma source(%dma_start3A_379 : memref<100000x128xf32, #tpu.memory_space<hbm>>) target(%arg11 : memref<64x128xf32, #tpu.memory_space<vmem>>) offsets(%dma_start3A_376 : memref<64xi32, #tpu.memory_space<vmem>>) semaphore(%arg16 : memref<!tpu.dma_semaphore, #tpu.memory_space<semaphore_mem>>)
      } else {
      }
      %mul3A_342 = arith.constant 2 : i32
      %mul3A_343 = arith.muli %scan3A_324, %mul3A_342 : i32
      %add3A_344 = arith.constant 1 : i32
      %add3A_345 = arith.addi %mul3A_343, %add3A_344 : i32
      %dma_wait3A_346 = arith.constant 0 : i32
      %dma_wait3A_347 = tpu.memref_slice %arg7[%dma_wait3A_346] : memref<512xi32, #tpu.memory_space<vmem>> -> memref<64xi32, #tpu.memory_space<vmem>>
      %dma_wait3A_348 = arith.constant 0 : i32
      %dma_wait3A_349 = arith.constant 0 : i32
      %dma_wait3A_350 = tpu.memref_slice %arg3[%dma_wait3A_348, %dma_wait3A_349] : memref<100000x128xf32, #tpu.memory_space<hbm>> -> memref<100000x128xf32, #tpu.memory_space<hbm>>
      tpu.wait_indirect_dma semaphore(%arg15 : memref<!tpu.dma_semaphore, #tpu.memory_space<semaphore_mem>>) src(%dma_wait3A_350 : memref<100000x128xf32, #tpu.memory_space<hbm>>) dst(%arg10 : memref<64x128xf32, #tpu.memory_space<vmem>>)
      %dma_wait3A_351 = arith.constant 0 : i32
      %dma_wait3A_352 = tpu.memref_slice %arg8[%dma_wait3A_351] : memref<512xi32, #tpu.memory_space<vmem>> -> memref<64xi32, #tpu.memory_space<vmem>>
      %dma_wait3A_353 = arith.constant 0 : i32
      %dma_wait3A_354 = arith.constant 0 : i32
      %dma_wait3A_355 = tpu.memref_slice %arg4[%dma_wait3A_353, %dma_wait3A_354] : memref<100000x128xf32, #tpu.memory_space<hbm>> -> memref<100000x128xf32, #tpu.memory_space<hbm>>
      tpu.wait_indirect_dma semaphore(%arg17 : memref<!tpu.dma_semaphore, #tpu.memory_space<semaphore_mem>>) src(%dma_wait3A_355 : memref<100000x128xf32, #tpu.memory_space<hbm>>) dst(%arg12 : memref<64x128xf32, #tpu.memory_space<vmem>>)
      %parallel_loop3A_356 = arith.constant 0 : i32
      %parallel_loop3A_357 = arith.constant 4 : i32
      %parallel_loop3A_358 = arith.constant 1 : i32
      scf.for %parallel_loop3A_366 = %parallel_loop3A_356 to %parallel_loop3A_357 step %parallel_loop3A_358  : i32 {
        %parallel_loop3A_367 = arith.constant 16 : i32
        %parallel_loop3A_368 = arith.muli %parallel_loop3A_366, %parallel_loop3A_367 : i32
        %parallel_loop3A_369 = vector.broadcast %parallel_loop3A_368 : i32 to vector<16xi32>
        %parallel_loop3A_370 = arith.addi %parallel_loop3A_369, %iota3A : vector<16xi32>
        %parallel_loop3A_371 = arith.constant 0.000000e+00 : f32
        %parallel_loop3A_372 = vector.broadcast %parallel_loop3A_371 : f32 to vector<16xf32>
        %parallel_loop3A_373 = arith.constant 0 : i32
        %parallel_loop3A_374 = arith.constant 8 : i32
        %parallel_loop3A_375 = arith.constant 1 : i32
        %parallel_loop3A_376:2 = scf.for %parallel_loop3A_395 = %parallel_loop3A_373 to %parallel_loop3A_374 step %parallel_loop3A_375 iter_args(%parallel_loop3A_396 = %parallel_loop3A_372, %parallel_loop3A_397 = %parallel_loop3A_372) -> (vector<16xf32>, vector<16xf32>)  : i32 {
          %parallel_loop3A_398 = arith.constant 16 : i32
          %parallel_loop3A_399 = arith.muli %parallel_loop3A_395, %parallel_loop3A_398 : i32
          %parallel_loop3A_400 = vector.broadcast %parallel_loop3A_399 : i32 to vector<16xi32>
          %parallel_loop3A_401 = arith.addi %iota3A, %parallel_loop3A_400 : vector<16xi32>
          %parallel_loop3A_402 = tpu.vector_load_idx %arg10[%parallel_loop3A_370, %parallel_loop3A_401] : memref<64x128xf32, #tpu.memory_space<vmem>>[vector<16xi32>, vector<16xi32>], vector<16xf32>,
          %parallel_loop3A_403 = tpu.vector_load_idx %arg12[%parallel_loop3A_370, %parallel_loop3A_401] : memref<64x128xf32, #tpu.memory_space<vmem>>[vector<16xi32>, vector<16xi32>], vector<16xf32>,
          %parallel_loop3A_404 = arith.mulf %parallel_loop3A_402, %parallel_loop3A_403 : vector<16xf32>
          %parallel_loop3A_405 = arith.addf %parallel_loop3A_396, %parallel_loop3A_404 : vector<16xf32>
          %parallel_loop3A_406 = arith.constant 0 : i32
          %parallel_loop3A_407 = vector.broadcast %parallel_loop3A_406 : i32 to vector<16xi32>
          %parallel_loop3A_408 = arith.cmpi slt, %and3A_7, %parallel_loop3A_407 : vector<16xi32>
          %parallel_loop3A_409 = arith.constant 16 : i32
          %parallel_loop3A_410 = vector.broadcast %parallel_loop3A_409 : i32 to vector<16xi32>
          %parallel_loop3A_411 = arith.addi %and3A_7, %parallel_loop3A_410 : vector<16xi32>
          %parallel_loop3A_412 = arith.select %parallel_loop3A_408, %parallel_loop3A_411, %and3A_7 : vector<16xi1>, vector<16xi32>
          %parallel_loop3A_413 = vector.shape_cast %parallel_loop3A_412 : vector<16xi32> to vector<16x1xi32>
          %parallel_loop3A_414 = vector.shape_cast %parallel_loop3A_413 : vector<16x1xi32> to vector<16xi32>
          %parallel_loop3A_415 = tpu.dynamic_gather %iota3A[%parallel_loop3A_414] in [0] : vector<16xi32>, vector<16xi32> -> vector<16xi32>
          %parallel_loop3A_416 = arith.addi %parallel_loop3A_415, %parallel_loop3A_400 : vector<16xi32>
          %parallel_loop3A_417 = tpu.vector_load_idx %arg10[%parallel_loop3A_370, %parallel_loop3A_416] : memref<64x128xf32, #tpu.memory_space<vmem>>[vector<16xi32>, vector<16xi32>], vector<16xf32>,
          %parallel_loop3A_418 = tpu.vector_load_idx %arg12[%parallel_loop3A_370, %parallel_loop3A_416] : memref<64x128xf32, #tpu.memory_space<vmem>>[vector<16xi32>, vector<16xi32>], vector<16xf32>,
          %parallel_loop3A_419 = arith.mulf %parallel_loop3A_417, %parallel_loop3A_418 : vector<16xf32>
          %parallel_loop3A_420 = arith.addf %parallel_loop3A_397, %parallel_loop3A_419 : vector<16xf32>
          %parallel_loop3A_421 = arith.constant 0 : i32
          %parallel_loop3A_422 = vector.broadcast %parallel_loop3A_421 : i32 to vector<16xi32>
          %parallel_loop3A_423 = arith.cmpi slt, %and3A_7, %parallel_loop3A_422 : vector<16xi32>
          %parallel_loop3A_424 = arith.constant 16 : i32
          %parallel_loop3A_425 = vector.broadcast %parallel_loop3A_424 : i32 to vector<16xi32>
          %parallel_loop3A_426 = arith.addi %and3A_7, %parallel_loop3A_425 : vector<16xi32>
          %parallel_loop3A_427 = arith.select %parallel_loop3A_423, %parallel_loop3A_426, %and3A_7 : vector<16xi1>, vector<16xi32>
          %parallel_loop3A_428 = vector.shape_cast %parallel_loop3A_427 : vector<16xi32> to vector<16x1xi32>
          %parallel_loop3A_429 = vector.shape_cast %parallel_loop3A_428 : vector<16x1xi32> to vector<16xi32>
          %parallel_loop3A_430 = tpu.dynamic_gather %parallel_loop3A_415[%parallel_loop3A_429] in [0] : vector<16xi32>, vector<16xi32> -> vector<16xi32>
          %parallel_loop3A_431 = arith.addi %parallel_loop3A_430, %parallel_loop3A_400 : vector<16xi32>
          %parallel_loop3A_432 = tpu.vector_load_idx %arg10[%parallel_loop3A_370, %parallel_loop3A_431] : memref<64x128xf32, #tpu.memory_space<vmem>>[vector<16xi32>, vector<16xi32>], vector<16xf32>,
          %parallel_loop3A_433 = tpu.vector_load_idx %arg12[%parallel_loop3A_370, %parallel_loop3A_431] : memref<64x128xf32, #tpu.memory_space<vmem>>[vector<16xi32>, vector<16xi32>], vector<16xf32>,
          %parallel_loop3A_434 = arith.mulf %parallel_loop3A_432, %parallel_loop3A_433 : vector<16xf32>
          %parallel_loop3A_435 = arith.addf %parallel_loop3A_405, %parallel_loop3A_434 : vector<16xf32>
          %parallel_loop3A_436 = arith.constant 0 : i32
          %parallel_loop3A_437 = vector.broadcast %parallel_loop3A_436 : i32 to vector<16xi32>
          %parallel_loop3A_438 = arith.cmpi slt, %and3A_7, %parallel_loop3A_437 : vector<16xi32>
          %parallel_loop3A_439 = arith.constant 16 : i32
          %parallel_loop3A_440 = vector.broadcast %parallel_loop3A_439 : i32 to vector<16xi32>
          %parallel_loop3A_441 = arith.addi %and3A_7, %parallel_loop3A_440 : vector<16xi32>
          %parallel_loop3A_442 = arith.select %parallel_loop3A_438, %parallel_loop3A_441, %and3A_7 : vector<16xi1>, vector<16xi32>
          %parallel_loop3A_443 = vector.shape_cast %parallel_loop3A_442 : vector<16xi32> to vector<16x1xi32>
          %parallel_loop3A_444 = vector.shape_cast %parallel_loop3A_443 : vector<16x1xi32> to vector<16xi32>
          %parallel_loop3A_445 = tpu.dynamic_gather %parallel_loop3A_430[%parallel_loop3A_444] in [0] : vector<16xi32>, vector<16xi32> -> vector<16xi32>
          %parallel_loop3A_446 = arith.addi %parallel_loop3A_445, %parallel_loop3A_400 : vector<16xi32>
          %parallel_loop3A_447 = tpu.vector_load_idx %arg10[%parallel_loop3A_370, %parallel_loop3A_446] : memref<64x128xf32, #tpu.memory_space<vmem>>[vector<16xi32>, vector<16xi32>], vector<16xf32>,
          %parallel_loop3A_448 = tpu.vector_load_idx %arg12[%parallel_loop3A_370, %parallel_loop3A_446] : memref<64x128xf32, #tpu.memory_space<vmem>>[vector<16xi32>, vector<16xi32>], vector<16xf32>,
          %parallel_loop3A_449 = arith.mulf %parallel_loop3A_447, %parallel_loop3A_448 : vector<16xf32>
          %parallel_loop3A_450 = arith.addf %parallel_loop3A_420, %parallel_loop3A_449 : vector<16xf32>
          %parallel_loop3A_451 = arith.constant 0 : i32
          %parallel_loop3A_452 = vector.broadcast %parallel_loop3A_451 : i32 to vector<16xi32>
          %parallel_loop3A_453 = arith.cmpi slt, %and3A_7, %parallel_loop3A_452 : vector<16xi32>
          %parallel_loop3A_454 = arith.constant 16 : i32
          %parallel_loop3A_455 = vector.broadcast %parallel_loop3A_454 : i32 to vector<16xi32>
          %parallel_loop3A_456 = arith.addi %and3A_7, %parallel_loop3A_455 : vector<16xi32>
          %parallel_loop3A_457 = arith.select %parallel_loop3A_453, %parallel_loop3A_456, %and3A_7 : vector<16xi1>, vector<16xi32>
          %parallel_loop3A_458 = vector.shape_cast %parallel_loop3A_457 : vector<16xi32> to vector<16x1xi32>
          %parallel_loop3A_459 = vector.shape_cast %parallel_loop3A_458 : vector<16x1xi32> to vector<16xi32>
          %parallel_loop3A_460 = tpu.dynamic_gather %parallel_loop3A_445[%parallel_loop3A_459] in [0] : vector<16xi32>, vector<16xi32> -> vector<16xi32>
          %parallel_loop3A_461 = arith.addi %parallel_loop3A_460, %parallel_loop3A_400 : vector<16xi32>
          %parallel_loop3A_462 = tpu.vector_load_idx %arg10[%parallel_loop3A_370, %parallel_loop3A_461] : memref<64x128xf32, #tpu.memory_space<vmem>>[vector<16xi32>, vector<16xi32>], vector<16xf32>,
          %parallel_loop3A_463 = tpu.vector_load_idx %arg12[%parallel_loop3A_370, %parallel_loop3A_461] : memref<64x128xf32, #tpu.memory_space<vmem>>[vector<16xi32>, vector<16xi32>], vector<16xf32>,
          %parallel_loop3A_464 = arith.mulf %parallel_loop3A_462, %parallel_loop3A_463 : vector<16xf32>
          %parallel_loop3A_465 = arith.addf %parallel_loop3A_435, %parallel_loop3A_464 : vector<16xf32>
          %parallel_loop3A_466 = arith.constant 0 : i32
          %parallel_loop3A_467 = vector.broadcast %parallel_loop3A_466 : i32 to vector<16xi32>
          %parallel_loop3A_468 = arith.cmpi slt, %and3A_7, %parallel_loop3A_467 : vector<16xi32>
          %parallel_loop3A_469 = arith.constant 16 : i32
          %parallel_loop3A_470 = vector.broadcast %parallel_loop3A_469 : i32 to vector<16xi32>
          %parallel_loop3A_471 = arith.addi %and3A_7, %parallel_loop3A_470 : vector<16xi32>
          %parallel_loop3A_472 = arith.select %parallel_loop3A_468, %parallel_loop3A_471, %and3A_7 : vector<16xi1>, vector<16xi32>
          %parallel_loop3A_473 = vector.shape_cast %parallel_loop3A_472 : vector<16xi32> to vector<16x1xi32>
          %parallel_loop3A_474 = vector.shape_cast %parallel_loop3A_473 : vector<16x1xi32> to vector<16xi32>
          %parallel_loop3A_475 = tpu.dynamic_gather %parallel_loop3A_460[%parallel_loop3A_474] in [0] : vector<16xi32>, vector<16xi32> -> vector<16xi32>
          %parallel_loop3A_476 = arith.addi %parallel_loop3A_475, %parallel_loop3A_400 : vector<16xi32>
          %parallel_loop3A_477 = tpu.vector_load_idx %arg10[%parallel_loop3A_370, %parallel_loop3A_476] : memref<64x128xf32, #tpu.memory_space<vmem>>[vector<16xi32>, vector<16xi32>], vector<16xf32>,
          %parallel_loop3A_478 = tpu.vector_load_idx %arg12[%parallel_loop3A_370, %parallel_loop3A_476] : memref<64x128xf32, #tpu.memory_space<vmem>>[vector<16xi32>, vector<16xi32>], vector<16xf32>,
          %parallel_loop3A_479 = arith.mulf %parallel_loop3A_477, %parallel_loop3A_478 : vector<16xf32>
          %parallel_loop3A_480 = arith.addf %parallel_loop3A_450, %parallel_loop3A_479 : vector<16xf32>
          %parallel_loop3A_481 = arith.constant 0 : i32
          %parallel_loop3A_482 = vector.broadcast %parallel_loop3A_481 : i32 to vector<16xi32>
          %parallel_loop3A_483 = arith.cmpi slt, %and3A_7, %parallel_loop3A_482 : vector<16xi32>
          %parallel_loop3A_484 = arith.constant 16 : i32
          %parallel_loop3A_485 = vector.broadcast %parallel_loop3A_484 : i32 to vector<16xi32>
          %parallel_loop3A_486 = arith.addi %and3A_7, %parallel_loop3A_485 : vector<16xi32>
          %parallel_loop3A_487 = arith.select %parallel_loop3A_483, %parallel_loop3A_486, %and3A_7 : vector<16xi1>, vector<16xi32>
          %parallel_loop3A_488 = vector.shape_cast %parallel_loop3A_487 : vector<16xi32> to vector<16x1xi32>
          %parallel_loop3A_489 = vector.shape_cast %parallel_loop3A_488 : vector<16x1xi32> to vector<16xi32>
          %parallel_loop3A_490 = tpu.dynamic_gather %parallel_loop3A_475[%parallel_loop3A_489] in [0] : vector<16xi32>, vector<16xi32> -> vector<16xi32>
          %parallel_loop3A_491 = arith.addi %parallel_loop3A_490, %parallel_loop3A_400 : vector<16xi32>
          %parallel_loop3A_492 = tpu.vector_load_idx %arg10[%parallel_loop3A_370, %parallel_loop3A_491] : memref<64x128xf32, #tpu.memory_space<vmem>>[vector<16xi32>, vector<16xi32>], vector<16xf32>,
          %parallel_loop3A_493 = tpu.vector_load_idx %arg12[%parallel_loop3A_370, %parallel_loop3A_491] : memref<64x128xf32, #tpu.memory_space<vmem>>[vector<16xi32>, vector<16xi32>], vector<16xf32>,
          %parallel_loop3A_494 = arith.mulf %parallel_loop3A_492, %parallel_loop3A_493 : vector<16xf32>
          %parallel_loop3A_495 = arith.addf %parallel_loop3A_465, %parallel_loop3A_494 : vector<16xf32>
          %parallel_loop3A_496 = arith.constant 0 : i32
          %parallel_loop3A_497 = vector.broadcast %parallel_loop3A_496 : i32 to vector<16xi32>
          %parallel_loop3A_498 = arith.cmpi slt, %and3A_7, %parallel_loop3A_497 : vector<16xi32>
          %parallel_loop3A_499 = arith.constant 16 : i32
          %parallel_loop3A_500 = vector.broadcast %parallel_loop3A_499 : i32 to vector<16xi32>
          %parallel_loop3A_501 = arith.addi %and3A_7, %parallel_loop3A_500 : vector<16xi32>
          %parallel_loop3A_502 = arith.select %parallel_loop3A_498, %parallel_loop3A_501, %and3A_7 : vector<16xi1>, vector<16xi32>
          %parallel_loop3A_503 = vector.shape_cast %parallel_loop3A_502 : vector<16xi32> to vector<16x1xi32>
          %parallel_loop3A_504 = vector.shape_cast %parallel_loop3A_503 : vector<16x1xi32> to vector<16xi32>
          %parallel_loop3A_505 = tpu.dynamic_gather %parallel_loop3A_490[%parallel_loop3A_504] in [0] : vector<16xi32>, vector<16xi32> -> vector<16xi32>
          %parallel_loop3A_506 = arith.addi %parallel_loop3A_505, %parallel_loop3A_400 : vector<16xi32>
          %parallel_loop3A_507 = tpu.vector_load_idx %arg10[%parallel_loop3A_370, %parallel_loop3A_506] : memref<64x128xf32, #tpu.memory_space<vmem>>[vector<16xi32>, vector<16xi32>], vector<16xf32>,
          %parallel_loop3A_508 = tpu.vector_load_idx %arg12[%parallel_loop3A_370, %parallel_loop3A_506] : memref<64x128xf32, #tpu.memory_space<vmem>>[vector<16xi32>, vector<16xi32>], vector<16xf32>,
          %parallel_loop3A_509 = arith.mulf %parallel_loop3A_507, %parallel_loop3A_508 : vector<16xf32>
          %parallel_loop3A_510 = arith.addf %parallel_loop3A_480, %parallel_loop3A_509 : vector<16xf32>
          %parallel_loop3A_511 = arith.constant 0 : i32
          %parallel_loop3A_512 = vector.broadcast %parallel_loop3A_511 : i32 to vector<16xi32>
          %parallel_loop3A_513 = arith.cmpi slt, %and3A_7, %parallel_loop3A_512 : vector<16xi32>
          %parallel_loop3A_514 = arith.constant 16 : i32
          %parallel_loop3A_515 = vector.broadcast %parallel_loop3A_514 : i32 to vector<16xi32>
          %parallel_loop3A_516 = arith.addi %and3A_7, %parallel_loop3A_515 : vector<16xi32>
          %parallel_loop3A_517 = arith.select %parallel_loop3A_513, %parallel_loop3A_516, %and3A_7 : vector<16xi1>, vector<16xi32>
          %parallel_loop3A_518 = vector.shape_cast %parallel_loop3A_517 : vector<16xi32> to vector<16x1xi32>
          %parallel_loop3A_519 = vector.shape_cast %parallel_loop3A_518 : vector<16x1xi32> to vector<16xi32>
          %parallel_loop3A_520 = tpu.dynamic_gather %parallel_loop3A_505[%parallel_loop3A_519] in [0] : vector<16xi32>, vector<16xi32> -> vector<16xi32>
          %parallel_loop3A_521 = arith.addi %parallel_loop3A_520, %parallel_loop3A_400 : vector<16xi32>
          %parallel_loop3A_522 = tpu.vector_load_idx %arg10[%parallel_loop3A_370, %parallel_loop3A_521] : memref<64x128xf32, #tpu.memory_space<vmem>>[vector<16xi32>, vector<16xi32>], vector<16xf32>,
          %parallel_loop3A_523 = tpu.vector_load_idx %arg12[%parallel_loop3A_370, %parallel_loop3A_521] : memref<64x128xf32, #tpu.memory_space<vmem>>[vector<16xi32>, vector<16xi32>], vector<16xf32>,
          %parallel_loop3A_524 = arith.mulf %parallel_loop3A_522, %parallel_loop3A_523 : vector<16xf32>
          %parallel_loop3A_525 = arith.addf %parallel_loop3A_495, %parallel_loop3A_524 : vector<16xf32>
          %parallel_loop3A_526 = arith.constant 0 : i32
          %parallel_loop3A_527 = vector.broadcast %parallel_loop3A_526 : i32 to vector<16xi32>
          %parallel_loop3A_528 = arith.cmpi slt, %and3A_7, %parallel_loop3A_527 : vector<16xi32>
          %parallel_loop3A_529 = arith.constant 16 : i32
          %parallel_loop3A_530 = vector.broadcast %parallel_loop3A_529 : i32 to vector<16xi32>
          %parallel_loop3A_531 = arith.addi %and3A_7, %parallel_loop3A_530 : vector<16xi32>
          %parallel_loop3A_532 = arith.select %parallel_loop3A_528, %parallel_loop3A_531, %and3A_7 : vector<16xi1>, vector<16xi32>
          %parallel_loop3A_533 = vector.shape_cast %parallel_loop3A_532 : vector<16xi32> to vector<16x1xi32>
          %parallel_loop3A_534 = vector.shape_cast %parallel_loop3A_533 : vector<16x1xi32> to vector<16xi32>
          %parallel_loop3A_535 = tpu.dynamic_gather %parallel_loop3A_520[%parallel_loop3A_534] in [0] : vector<16xi32>, vector<16xi32> -> vector<16xi32>
          %parallel_loop3A_536 = arith.addi %parallel_loop3A_535, %parallel_loop3A_400 : vector<16xi32>
          %parallel_loop3A_537 = tpu.vector_load_idx %arg10[%parallel_loop3A_370, %parallel_loop3A_536] : memref<64x128xf32, #tpu.memory_space<vmem>>[vector<16xi32>, vector<16xi32>], vector<16xf32>,
          %parallel_loop3A_538 = tpu.vector_load_idx %arg12[%parallel_loop3A_370, %parallel_loop3A_536] : memref<64x128xf32, #tpu.memory_space<vmem>>[vector<16xi32>, vector<16xi32>], vector<16xf32>,
          %parallel_loop3A_539 = arith.mulf %parallel_loop3A_537, %parallel_loop3A_538 : vector<16xf32>
          %parallel_loop3A_540 = arith.addf %parallel_loop3A_510, %parallel_loop3A_539 : vector<16xf32>
          %parallel_loop3A_541 = arith.constant 0 : i32
          %parallel_loop3A_542 = vector.broadcast %parallel_loop3A_541 : i32 to vector<16xi32>
          %parallel_loop3A_543 = arith.cmpi slt, %and3A_7, %parallel_loop3A_542 : vector<16xi32>
          %parallel_loop3A_544 = arith.constant 16 : i32
          %parallel_loop3A_545 = vector.broadcast %parallel_loop3A_544 : i32 to vector<16xi32>
          %parallel_loop3A_546 = arith.addi %and3A_7, %parallel_loop3A_545 : vector<16xi32>
          %parallel_loop3A_547 = arith.select %parallel_loop3A_543, %parallel_loop3A_546, %and3A_7 : vector<16xi1>, vector<16xi32>
          %parallel_loop3A_548 = vector.shape_cast %parallel_loop3A_547 : vector<16xi32> to vector<16x1xi32>
          %parallel_loop3A_549 = vector.shape_cast %parallel_loop3A_548 : vector<16x1xi32> to vector<16xi32>
          %parallel_loop3A_550 = tpu.dynamic_gather %parallel_loop3A_535[%parallel_loop3A_549] in [0] : vector<16xi32>, vector<16xi32> -> vector<16xi32>
          %parallel_loop3A_551 = arith.addi %parallel_loop3A_550, %parallel_loop3A_400 : vector<16xi32>
          %parallel_loop3A_552 = tpu.vector_load_idx %arg10[%parallel_loop3A_370, %parallel_loop3A_551] : memref<64x128xf32, #tpu.memory_space<vmem>>[vector<16xi32>, vector<16xi32>], vector<16xf32>,
          %parallel_loop3A_553 = tpu.vector_load_idx %arg12[%parallel_loop3A_370, %parallel_loop3A_551] : memref<64x128xf32, #tpu.memory_space<vmem>>[vector<16xi32>, vector<16xi32>], vector<16xf32>,
          %parallel_loop3A_554 = arith.mulf %parallel_loop3A_552, %parallel_loop3A_553 : vector<16xf32>
          %parallel_loop3A_555 = arith.addf %parallel_loop3A_525, %parallel_loop3A_554 : vector<16xf32>
          %parallel_loop3A_556 = arith.constant 0 : i32
          %parallel_loop3A_557 = vector.broadcast %parallel_loop3A_556 : i32 to vector<16xi32>
          %parallel_loop3A_558 = arith.cmpi slt, %and3A_7, %parallel_loop3A_557 : vector<16xi32>
          %parallel_loop3A_559 = arith.constant 16 : i32
          %parallel_loop3A_560 = vector.broadcast %parallel_loop3A_559 : i32 to vector<16xi32>
          %parallel_loop3A_561 = arith.addi %and3A_7, %parallel_loop3A_560 : vector<16xi32>
          %parallel_loop3A_562 = arith.select %parallel_loop3A_558, %parallel_loop3A_561, %and3A_7 : vector<16xi1>, vector<16xi32>
          %parallel_loop3A_563 = vector.shape_cast %parallel_loop3A_562 : vector<16xi32> to vector<16x1xi32>
          %parallel_loop3A_564 = vector.shape_cast %parallel_loop3A_563 : vector<16x1xi32> to vector<16xi32>
          %parallel_loop3A_565 = tpu.dynamic_gather %parallel_loop3A_550[%parallel_loop3A_564] in [0] : vector<16xi32>, vector<16xi32> -> vector<16xi32>
          %parallel_loop3A_566 = arith.addi %parallel_loop3A_565, %parallel_loop3A_400 : vector<16xi32>
          %parallel_loop3A_567 = tpu.vector_load_idx %arg10[%parallel_loop3A_370, %parallel_loop3A_566] : memref<64x128xf32, #tpu.memory_space<vmem>>[vector<16xi32>, vector<16xi32>], vector<16xf32>,
          %parallel_loop3A_568 = tpu.vector_load_idx %arg12[%parallel_loop3A_370, %parallel_loop3A_566] : memref<64x128xf32, #tpu.memory_space<vmem>>[vector<16xi32>, vector<16xi32>], vector<16xf32>,
          %parallel_loop3A_569 = arith.mulf %parallel_loop3A_567, %parallel_loop3A_568 : vector<16xf32>
          %parallel_loop3A_570 = arith.addf %parallel_loop3A_540, %parallel_loop3A_569 : vector<16xf32>
          %parallel_loop3A_571 = arith.constant 0 : i32
          %parallel_loop3A_572 = vector.broadcast %parallel_loop3A_571 : i32 to vector<16xi32>
          %parallel_loop3A_573 = arith.cmpi slt, %and3A_7, %parallel_loop3A_572 : vector<16xi32>
          %parallel_loop3A_574 = arith.constant 16 : i32
          %parallel_loop3A_575 = vector.broadcast %parallel_loop3A_574 : i32 to vector<16xi32>
          %parallel_loop3A_576 = arith.addi %and3A_7, %parallel_loop3A_575 : vector<16xi32>
          %parallel_loop3A_577 = arith.select %parallel_loop3A_573, %parallel_loop3A_576, %and3A_7 : vector<16xi1>, vector<16xi32>
          %parallel_loop3A_578 = vector.shape_cast %parallel_loop3A_577 : vector<16xi32> to vector<16x1xi32>
          %parallel_loop3A_579 = vector.shape_cast %parallel_loop3A_578 : vector<16x1xi32> to vector<16xi32>
          %parallel_loop3A_580 = tpu.dynamic_gather %parallel_loop3A_565[%parallel_loop3A_579] in [0] : vector<16xi32>, vector<16xi32> -> vector<16xi32>
          %parallel_loop3A_581 = arith.addi %parallel_loop3A_580, %parallel_loop3A_400 : vector<16xi32>
          %parallel_loop3A_582 = tpu.vector_load_idx %arg10[%parallel_loop3A_370, %parallel_loop3A_581] : memref<64x128xf32, #tpu.memory_space<vmem>>[vector<16xi32>, vector<16xi32>], vector<16xf32>,
          %parallel_loop3A_583 = tpu.vector_load_idx %arg12[%parallel_loop3A_370, %parallel_loop3A_581] : memref<64x128xf32, #tpu.memory_space<vmem>>[vector<16xi32>, vector<16xi32>], vector<16xf32>,
          %parallel_loop3A_584 = arith.mulf %parallel_loop3A_582, %parallel_loop3A_583 : vector<16xf32>
          %parallel_loop3A_585 = arith.addf %parallel_loop3A_555, %parallel_loop3A_584 : vector<16xf32>
          %parallel_loop3A_586 = arith.constant 0 : i32
          %parallel_loop3A_587 = vector.broadcast %parallel_loop3A_586 : i32 to vector<16xi32>
          %parallel_loop3A_588 = arith.cmpi slt, %and3A_7, %parallel_loop3A_587 : vector<16xi32>
          %parallel_loop3A_589 = arith.constant 16 : i32
          %parallel_loop3A_590 = vector.broadcast %parallel_loop3A_589 : i32 to vector<16xi32>
          %parallel_loop3A_591 = arith.addi %and3A_7, %parallel_loop3A_590 : vector<16xi32>
          %parallel_loop3A_592 = arith.select %parallel_loop3A_588, %parallel_loop3A_591, %and3A_7 : vector<16xi1>, vector<16xi32>
          %parallel_loop3A_593 = vector.shape_cast %parallel_loop3A_592 : vector<16xi32> to vector<16x1xi32>
          %parallel_loop3A_594 = vector.shape_cast %parallel_loop3A_593 : vector<16x1xi32> to vector<16xi32>
          %parallel_loop3A_595 = tpu.dynamic_gather %parallel_loop3A_580[%parallel_loop3A_594] in [0] : vector<16xi32>, vector<16xi32> -> vector<16xi32>
          %parallel_loop3A_596 = arith.addi %parallel_loop3A_595, %parallel_loop3A_400 : vector<16xi32>
          %parallel_loop3A_597 = tpu.vector_load_idx %arg10[%parallel_loop3A_370, %parallel_loop3A_596] : memref<64x128xf32, #tpu.memory_space<vmem>>[vector<16xi32>, vector<16xi32>], vector<16xf32>,
          %parallel_loop3A_598 = tpu.vector_load_idx %arg12[%parallel_loop3A_370, %parallel_loop3A_596] : memref<64x128xf32, #tpu.memory_space<vmem>>[vector<16xi32>, vector<16xi32>], vector<16xf32>,
          %parallel_loop3A_599 = arith.mulf %parallel_loop3A_597, %parallel_loop3A_598 : vector<16xf32>
          %parallel_loop3A_600 = arith.addf %parallel_loop3A_570, %parallel_loop3A_599 : vector<16xf32>
          %parallel_loop3A_601 = arith.constant 0 : i32
          %parallel_loop3A_602 = vector.broadcast %parallel_loop3A_601 : i32 to vector<16xi32>
          %parallel_loop3A_603 = arith.cmpi slt, %and3A_7, %parallel_loop3A_602 : vector<16xi32>
          %parallel_loop3A_604 = arith.constant 16 : i32
          %parallel_loop3A_605 = vector.broadcast %parallel_loop3A_604 : i32 to vector<16xi32>
          %parallel_loop3A_606 = arith.addi %and3A_7, %parallel_loop3A_605 : vector<16xi32>
          %parallel_loop3A_607 = arith.select %parallel_loop3A_603, %parallel_loop3A_606, %and3A_7 : vector<16xi1>, vector<16xi32>
          %parallel_loop3A_608 = vector.shape_cast %parallel_loop3A_607 : vector<16xi32> to vector<16x1xi32>
          %parallel_loop3A_609 = vector.shape_cast %parallel_loop3A_608 : vector<16x1xi32> to vector<16xi32>
          %parallel_loop3A_610 = tpu.dynamic_gather %parallel_loop3A_595[%parallel_loop3A_609] in [0] : vector<16xi32>, vector<16xi32> -> vector<16xi32>
          %parallel_loop3A_611 = arith.addi %parallel_loop3A_610, %parallel_loop3A_400 : vector<16xi32>
          %parallel_loop3A_612 = tpu.vector_load_idx %arg10[%parallel_loop3A_370, %parallel_loop3A_611] : memref<64x128xf32, #tpu.memory_space<vmem>>[vector<16xi32>, vector<16xi32>], vector<16xf32>,
          %parallel_loop3A_613 = tpu.vector_load_idx %arg12[%parallel_loop3A_370, %parallel_loop3A_611] : memref<64x128xf32, #tpu.memory_space<vmem>>[vector<16xi32>, vector<16xi32>], vector<16xf32>,
          %parallel_loop3A_614 = arith.mulf %parallel_loop3A_612, %parallel_loop3A_613 : vector<16xf32>
          %parallel_loop3A_615 = arith.addf %parallel_loop3A_585, %parallel_loop3A_614 : vector<16xf32>
          %parallel_loop3A_616 = arith.constant 0 : i32
          %parallel_loop3A_617 = vector.broadcast %parallel_loop3A_616 : i32 to vector<16xi32>
          %parallel_loop3A_618 = arith.cmpi slt, %and3A_7, %parallel_loop3A_617 : vector<16xi32>
          %parallel_loop3A_619 = arith.constant 16 : i32
          %parallel_loop3A_620 = vector.broadcast %parallel_loop3A_619 : i32 to vector<16xi32>
          %parallel_loop3A_621 = arith.addi %and3A_7, %parallel_loop3A_620 : vector<16xi32>
          %parallel_loop3A_622 = arith.select %parallel_loop3A_618, %parallel_loop3A_621, %and3A_7 : vector<16xi1>, vector<16xi32>
          %parallel_loop3A_623 = vector.shape_cast %parallel_loop3A_622 : vector<16xi32> to vector<16x1xi32>
          %parallel_loop3A_624 = vector.shape_cast %parallel_loop3A_623 : vector<16x1xi32> to vector<16xi32>
          %parallel_loop3A_625 = tpu.dynamic_gather %parallel_loop3A_610[%parallel_loop3A_624] in [0] : vector<16xi32>, vector<16xi32> -> vector<16xi32>
          %parallel_loop3A_626 = arith.addi %parallel_loop3A_625, %parallel_loop3A_400 : vector<16xi32>
          %parallel_loop3A_627 = tpu.vector_load_idx %arg10[%parallel_loop3A_370, %parallel_loop3A_626] : memref<64x128xf32, #tpu.memory_space<vmem>>[vector<16xi32>, vector<16xi32>], vector<16xf32>,
          %parallel_loop3A_628 = tpu.vector_load_idx %arg12[%parallel_loop3A_370, %parallel_loop3A_626] : memref<64x128xf32, #tpu.memory_space<vmem>>[vector<16xi32>, vector<16xi32>], vector<16xf32>,
          %parallel_loop3A_629 = arith.mulf %parallel_loop3A_627, %parallel_loop3A_628 : vector<16xf32>
          %parallel_loop3A_630 = arith.addf %parallel_loop3A_600, %parallel_loop3A_629 : vector<16xf32>
          scf.yield %parallel_loop3A_615, %parallel_loop3A_630 : vector<16xf32>, vector<16xf32>
        } {sc.loop_unroll_factor = 2 : i64, sc.parallel_access}
        %parallel_loop3A_377 = arith.addf %parallel_loop3A_376#0, %parallel_loop3A_376#1 : vector<16xf32>
        %parallel_loop3A_378 = arith.constant 0.000000e+00 : f32
        %parallel_loop3A_379 = vector.broadcast %parallel_loop3A_378 : f32 to vector<16xf32>
        %parallel_loop3A_380 = arith.subf %parallel_loop3A_379, %parallel_loop3A_377 : vector<16xf32>
        %parallel_loop3A_381 = math.exp %parallel_loop3A_380 : vector<16xf32>
        %parallel_loop3A_382 = arith.constant 1.000000e+00 : f32
        %parallel_loop3A_383 = vector.broadcast %parallel_loop3A_382 : f32 to vector<16xf32>
        %parallel_loop3A_384 = arith.addf %parallel_loop3A_383, %parallel_loop3A_381 : vector<16xf32>
        %parallel_loop3A_385 = arith.constant 1.000000e+00 : f32
        %parallel_loop3A_386 = vector.broadcast %parallel_loop3A_385 : f32 to vector<16xf32>
        %parallel_loop3A_387 = arith.divf %parallel_loop3A_386, %parallel_loop3A_384 : vector<16xf32>
        %parallel_loop3A_388 = arith.constant 4 : i32
        %parallel_loop3A_389 = arith.muli %add3A_345, %parallel_loop3A_388 : i32
        %parallel_loop3A_390 = arith.addi %parallel_loop3A_389, %parallel_loop3A_366 : i32
        %parallel_loop3A_391 = arith.constant 16 : i32
        %parallel_loop3A_392 = arith.muli %parallel_loop3A_390, %parallel_loop3A_391 : i32
        %parallel_loop3A_393 = arith.index_cast %parallel_loop3A_392 : i32 to index
        %parallel_loop3A_394 = tpu.vector_load %arg13[%parallel_loop3A_393] {strides = array<i32>} : memref<512xf32, #tpu.memory_space<vmem>>, vector<16xf32>,
        tpu.vector_store %arg13[%parallel_loop3A_393], %parallel_loop3A_387 {strides = array<i32>} : memref<512xf32, #tpu.memory_space<vmem>>, vector<16xf32>,
      } {sc.loop_unroll_factor = 1 : i64, sc.parallel_access}
      %add3A_359 = arith.constant 2 : i32
      %add3A_360 = arith.addi %add3A_345, %add3A_359 : i32
      %lt3A_361 = arith.constant 8 : i32
      %lt3A_362 = arith.cmpi slt, %add3A_360, %lt3A_361 : i32
      %convert_element_type3A_363 = arith.extui %lt3A_362 : i1 to i32
      %cond3A_364 = arith.constant 0 : i32
      %cond3A_365 = arith.cmpi ne, %convert_element_type3A_363, %cond3A_364 : i32
      scf.if %cond3A_365 {
        %add3A_366 = arith.constant 2 : i32
        %add3A_367 = arith.addi %add3A_345, %add3A_366 : i32
        %mul3A_368 = arith.constant 64 : i32
        %mul3A_369 = arith.muli %add3A_367, %mul3A_368 : i32
        %dma_start3A_370 = tpu.memref_slice %arg7[%mul3A_369] : memref<512xi32, #tpu.memory_space<vmem>> -> memref<64xi32, #tpu.memory_space<vmem>>
        %dma_start3A_371 = arith.constant 0 : i32
        %dma_start3A_372 = arith.constant 0 : i32
        %dma_start3A_373 = tpu.memref_slice %arg3[%dma_start3A_371, %dma_start3A_372] : memref<100000x128xf32, #tpu.memory_space<hbm>> -> memref<100000x128xf32, #tpu.memory_space<hbm>>
        tpu.enqueue_indirect_dma source(%dma_start3A_373 : memref<100000x128xf32, #tpu.memory_space<hbm>>) target(%arg10 : memref<64x128xf32, #tpu.memory_space<vmem>>) offsets(%dma_start3A_370 : memref<64xi32, #tpu.memory_space<vmem>>) semaphore(%arg15 : memref<!tpu.dma_semaphore, #tpu.memory_space<semaphore_mem>>)
        %mul3A_374 = arith.constant 64 : i32
        %mul3A_375 = arith.muli %add3A_367, %mul3A_374 : i32
        %dma_start3A_376 = tpu.memref_slice %arg8[%mul3A_375] : memref<512xi32, #tpu.memory_space<vmem>> -> memref<64xi32, #tpu.memory_space<vmem>>
        %dma_start3A_377 = arith.constant 0 : i32
        %dma_start3A_378 = arith.constant 0 : i32
        %dma_start3A_379 = tpu.memref_slice %arg4[%dma_start3A_377, %dma_start3A_378] : memref<100000x128xf32, #tpu.memory_space<hbm>> -> memref<100000x128xf32, #tpu.memory_space<hbm>>
        tpu.enqueue_indirect_dma source(%dma_start3A_379 : memref<100000x128xf32, #tpu.memory_space<hbm>>) target(%arg12 : memref<64x128xf32, #tpu.memory_space<vmem>>) offsets(%dma_start3A_376 : memref<64xi32, #tpu.memory_space<vmem>>) semaphore(%arg17 : memref<!tpu.dma_semaphore, #tpu.memory_space<semaphore_mem>>)
      } else {
      }
    }
    %scan3A_321 = arith.constant 4 : i32
    %mul3A_322 = arith.constant 512 : i32
    %mul3A_323 = arith.muli %add3A, %mul3A_322 : i32
    "tpu.region"() ({
      %run_scoped3A = tpu.sem_alloc : memref<!tpu.dma_semaphore, #tpu.memory_space<semaphore_mem>>
      %dma_start3A_324 = tpu.memref_slice %arg5[%mul3A_323] : memref<16384xf32, #tpu.memory_space<hbm>> -> memref<512xf32, #tpu.memory_space<hbm>>
      %dma_start3A_325 = tpu.memref_slice %arg5[%mul3A_323] : memref<16384xf32, #tpu.memory_space<hbm>> -> memref<512xf32, #tpu.memory_space<hbm>>
      tpu.enqueue_dma source(%arg13 : memref<512xf32, #tpu.memory_space<vmem>>) target(%dma_start3A_325 : memref<512xf32, #tpu.memory_space<hbm>>) target_semaphore(%run_scoped3A : memref<!tpu.dma_semaphore, #tpu.memory_space<semaphore_mem>>)
      %dma_wait3A = tpu.memref_slice %arg5[%mul3A_323] : memref<16384xf32, #tpu.memory_space<hbm>> -> memref<512xf32, #tpu.memory_space<hbm>>
      %dma_wait3A_326 = tpu.memref_slice %arg5[%mul3A_323] : memref<16384xf32, #tpu.memory_space<hbm>> -> memref<512xf32, #tpu.memory_space<hbm>>
      tpu.wait_dma2 semaphore(%run_scoped3A : memref<!tpu.dma_semaphore, #tpu.memory_space<semaphore_mem>>) src(%arg13 : memref<512xf32, #tpu.memory_space<vmem>>) dst(%dma_wait3A_326 : memref<512xf32, #tpu.memory_space<hbm>>)
      tpu.yield
    }) : () -> ()
    return
  }
}

</mosaic_0001>

<sc_bundles>
// kernel: _run.3.cloned.1.call-start
scs
__scs_entry_jumppad:
0x0: {  	(pc) =	sbr.rel $0x88, $3  }
0x1: {  	(tag) =	ssettag $0x0;
	lr =	simm.s32 $0x1  }
0x2: {  	[smem:$0x3F9E] =	sst lr;
	_ =	strace $0xD0000000  }
0x3: {  	_ = 	snop  }
0x4: {  	_ = 	snop  }
0x5: {  	_ = 	snop  }
0x6: {  	_ = 	snop  }
0x7: {  	_ = 	snop  }
__scs_overlays_trampoline_lowered:
0x8: {  	[smem:$0x3FAD] =	sst s0  }
0x9: {  	[smem:$0x3FAE] =	sst s1  }
0xa: {  	[smem:$0x3FAF] =	sst s2  }
0xb: {  	[smem:$0x3FB0] =	sst s3  }
0xc: {  	[smem:$0x3FB1] =	sst s4  }
0xd: {  	[smem:$0x3FB2] =	sst s5  }
0xe: {  	[smem:$0x3FB3] =	sst s6  }
0xf: {  	[smem:$0x3FB4] =	sst s7  }
0x10: {  	[smem:$0x3FB5] =	sst s8  }
0x11: {  	[smem:$0x3FB6] =	sst s9;
	s0 =	simm.s32 @!p0 $0x0  }
0x12: {  	s1 =	sld [smem:$0x3F9C];
	s0 =	simm.s32 @p0 $0x1  }
0x13: {  	[smem:$0x3FB7] =	sst s0;
	s0 =	simm.s32 @!p1 $0x0  }
0x14: {  	s2 =	sld [smem:$0x3F9B];
	s0 =	simm.s32 @p1 $0x1  }
0x15: {  	[smem:$0x3FB8] =	sst s0;
	s0 =	simm.s32 @!p2 $0x0  }
0x16: {  	s3 =	sld [smem:$0x3FDB];
	s0 =	simm.s32 @p2 $0x1  }
0x17: {  	s4 =	simm.s32 $0x1BF5;
	[smem:$0x3FBA] =	sst s0  }
0x18: {  	s0 =	sld [smem:$0x3F9D];
	_ =	swait.ge [sflag:s4], $0x0  }
0x19: {  	s7 =	sld [smem:$0x3F9E]  }
0x1a: {  	s8 =	sadd.s32 $0xFFFFE003, lr  }
0x1b: {  	s9 =	sadd.s32 $0xFFFFFEF7, lr;
	s5 =	simm.s32 $0xFFFFFFFF;
	p2 =	slt.u32 s8, $0xFFFFF086  }
0x1c: {  	p1 =	slt.u32 s9, $0xF7A;
	s5 =	simm.s32 @!p2 $0x0  }
0x1d: {  	s5 =	simm.s32 @p1 $0x1;
	p0 =	seq.s32 s7, s2  }
0x1e: {  	s7 =	smul.u32 @!p0 $0xF7A, s2;
	p2 =	seq.s32 @!p0 s5, $0x0  }
0x1f: {  	s9 =	smul.u32 $0xF7A, s1;
	s8 =	simm.s32 @!p0 $0x1BF5;
	p2 =	por !p2, p0  }
0x20: {  	[sflag:s8] =	ssyncset.s32 @!p0 $0xFFFFF086;
	s6 =	sadd.s32 @!p0 s3, s7;
	s7 =	simm.s32 @!p0 $0x108  }
0x21: {  	s3 =	sadd.s32 s3, s9;
	s6 =	sadd.s32 @!p0 $0x88, s6;
	s7 =	simm.s32 @p2 $0x1082  }
0x22: {  	[simem:s7], [sflag:s8] =	dma.local @!p0 [hbm:s6], $0xF7A  }
0x23: {  	s9 =	sor.u32 $0xD0000000, s2;
	s6 =	simm.s32 $0x108;
	_ =	swait.ge @!p0 [sflag:s8], $0x0  }
0x24: {  	s3 =	sadd.s32 $0x88, s3;
	s6 =	simm.s32 @!p1 $0x1082;
	[sflag:s4] =	ssyncset.s32 $0xFFFFF086  }
0x25: {  	[simem:s6], [sflag:s4] =	dma.local [hbm:s3], $0xF7A  }
0x26: {  	[smem:$0x3F9E] =	sst s1;
	(tag) =	ssettag s2;
	_ =	strace s9  }
0x27: {  	s1 =	sld [smem:$0x3FAE]  }
0x28: {  	s2 =	sld [smem:$0x3FAF]  }
0x29: {  	s4 =	sld [smem:$0x3FB1]  }
0x2a: {  	p0 =	seq.s32 s5, $0x0;
	s5 =	sld [smem:$0x3FB2]  }
0x2b: {  	s6 =	sld [smem:$0x3FB3]  }
0x2c: {  	s7 =	sld [smem:$0x3FB4]  }
0x2d: {  	s3 =	simm.s32 $0x108;
	s8 =	sld [smem:$0x3FB5]  }
0x2e: {  	s3 =	simm.s32 @!p0 $0x1082;
	s9 =	sld [smem:$0x3FB6]  }
0x2f: {  	lr =	sadd.s32 s0, s3;
	s0 =	sld [smem:$0x3FAD]  }
0x30: {  	s3 =	sld [smem:$0x3FB0]  }
0x31: {  	[smem:$0x3FB9] =	sst s10  }
0x32: {  	s10 =	sld [smem:$0x3FB7];
	_ =	sdelay $0x3  }
0x33: {  	p0 =	seq.s32 s10, $0x1;
	s10 =	sld [smem:$0x3FB9];
	_ =	sdelay $0x3  }
0x34: {  	[smem:$0x3FB9] =	sst s10  }
0x35: {  	s10 =	sld [smem:$0x3FB8];
	_ =	sdelay $0x3  }
0x36: {  	p1 =	seq.s32 s10, $0x1;
	s10 =	sld [smem:$0x3FB9];
	_ =	sdelay $0x3  }
0x37: {  	[smem:$0x3FB9] =	sst s10  }
0x38: {  	s10 =	sld [smem:$0x3FBA]  }
0x39: {  	_ = 	snop;
	(pc) =	sbr.ind lr, $3  }
0x3a: {  	_ = 	snop  }
0x3b: {  	_ = 	snop  }
0x3c: {  	p2 =	seq.s32 s10, $0x1;
	s10 =	sld [smem:$0x3FB9]  }
0x3d: {  	_ =	shalt  }
0x3e: {  	_ =	shalt  }
0x3f: {  	_ =	shalt  }
0x40: {  	_ =	shalt  }
0x41: {  	_ =	shalt  }
0x42: {  	_ =	shalt  }
0x43: {  	_ =	shalt  }
0x44: {  	_ =	shalt  }
0x45: {  	_ =	shalt  }
0x46: {  	_ =	shalt  }
0x47: {  	_ =	shalt  }
0x48: {  	_ =	shalt  }
0x49: {  	_ =	shalt  }
0x4a: {  	_ =	shalt  }
0x4b: {  	_ =	shalt  }
0x4c: {  	_ =	shalt  }
0x4d: {  	_ =	shalt  }
0x4e: {  	_ =	shalt  }
0x4f: {  	_ =	shalt  }
0x50: {  	_ =	shalt  }
0x51: {  	_ =	shalt  }
0x52: {  	_ =	shalt  }
0x53: {  	_ =	shalt  }
0x54: {  	_ =	shalt  }
0x55: {  	_ =	shalt  }
0x56: {  	_ =	shalt  }
0x57: {  	_ =	shalt  }
0x58: {  	_ =	shalt  }
0x59: {  	_ =	shalt  }
0x5a: {  	_ =	shalt  }
0x5b: {  	_ =	shalt  }
0x5c: {  	_ =	shalt  }
0x5d: {  	_ =	shalt  }
0x5e: {  	_ =	shalt  }
0x5f: {  	_ =	shalt  }
0x60: {  	_ =	shalt  }
0x61: {  	_ =	shalt  }
0x62: {  	_ =	shalt  }
0x63: {  	_ =	shalt  }
0x64: {  	_ =	shalt  }
0x65: {  	_ =	shalt  }
0x66: {  	_ =	shalt  }
0x67: {  	_ =	shalt  }
0x68: {  	_ =	shalt  }
0x69: {  	_ =	shalt  }
0x6a: {  	_ =	shalt  }
0x6b: {  	_ =	shalt  }
0x6c: {  	_ =	shalt  }
0x6d: {  	_ =	shalt  }
0x6e: {  	_ =	shalt  }
0x6f: {  	_ =	shalt  }
0x70: {  	_ =	shalt  }
0x71: {  	_ =	shalt  }
0x72: {  	_ =	shalt  }
0x73: {  	_ =	shalt  }
0x74: {  	_ =	shalt  }
0x75: {  	_ =	shalt  }
0x76: {  	_ =	shalt  }
0x77: {  	_ =	shalt  }
0x78: {  	_ =	shalt  }
0x79: {  	_ =	shalt  }
0x7a: {  	_ =	shalt  }
0x7b: {  	_ =	shalt  }
0x7c: {  	_ =	shalt  }
0x7d: {  	_ =	shalt  }
0x7e: {  	_ =	shalt  }
0x7f: {  	_ =	shalt  }
0x80: {  	_ =	shalt  }
0x81: {  	_ =	shalt  }
0x82: {  	_ =	shalt  }
0x83: {  	_ =	shalt  }
0x84: {  	_ =	shalt  }
0x85: {  	_ =	shalt  }
0x86: {  	_ =	shalt  }
0x87: {  	_ =	shalt  }
.Lfunc_end0:
.L_simem_size_0:
called_computation_lowered:
.L_overlay_start_0:
0x88: {  	s2 =	sld [smem:$0x3FD9]  }
0x89: {  	s3 =	sld [smem:$0x3FFE];
	_ =	sdelay $0x1  }
0x8a: {  	s1 =	srdreg.scid  }
0x8b: {  	s0 =	sand.u32 $0x1, s1  }
0x8c: {  	s17 =	sshll.u32 s0, $0xA;
	s2 =	sadd.s32 s3, s2  }
0x8d: {  	s2 =	sadd.s32 s2, s17  }
0x8e: {  	[smem:$0x3FC5] =	sst s2  }
0x8f: {  	_ = 	snop  }
0x90: {  	s2 =	sld [smem:$0x3FC8]  }
0x91: {  	s18 =	sld [smem:$0x3FC7]  }
0x92: {  	s4 =	sld [smem:$0x3FD0];
	(tm) =	ssettm $0x1  }
0x93: {  	s5 =	sld [smem:$0x3FFB];
	_ =	sdelay $0x3  }
0x94: {  	_ =	strace s5  }
0x95: {  	s5 =	sld [smem:$0x3FFC];
	_ =	sdelay $0x3  }
0x96: {  	_ =	strace s5  }
0x97: {  	s5 =	sld [smem:$0x3FFD];
	_ =	sdelay $0x3  }
0x98: {  	_ =	strace s5  }
0x99: {  	_ =	strace $0x8FFFFFFF  }
0x9a: {  	s19 =	sld [smem:$0x3FDB];
	_ =	sdelay $0x1  }
0x9b: {  	s6 =	simm.s32 $_scs_section_size  }
0x9c: {  	s7 =	simm.s32 $_size__tile_overlayer_lowered;
	s8 =	simm.s32 $_tile_overlayer_lowered  }
0x9d: {  	s22 =	simm.s32 $0x1BFF;
	s21 =	sshll.u32 s8, $0x1;
	s5 =	sadd.s32 s6, s19  }
0x9e: {  	s9 =	simm.s32 $0x0;
	s20 =	sshll.u32 s7, $0x1;
	s7 =	sadd.s32 s21, s5  }
0x9f: {  	[timem:s9], [sflag:s22] =	dma.local [hbm:s7], s20  }
0xa0: {  	_ =	swait.ge [sflag:s22], s20  }
0xa1: {  	s6 =	ssub.s32 $0x0, s20;
	[sflag:s22] =	ssyncset.done $0x0  }
0xa2: {  	[sflag:s22] =	ssyncadd.s32 s6;
	_ =	sdelay $0x1  }
0xa3: {  	s23 =	simm.s32 $0x1B8B  }
0xa4: {  	_ =	swait.ge [sflag:s23], $0x1  }
0xa5: {  	[sflag:s23] =	ssyncset.done $0x0  }
0xa6: {  	s25 =	simm.s32 $0x1B8E;
	s24 =	sld [smem:$0x3FFE];
	[sflag:s23] =	ssyncadd.s32 $0xFFFFFFFF  }
0xa7: {  	s26 =	simm.s32 $execute0_lowered;
	[smem:$0x3FD2] =	sst s25  }
0xa8: {  	s7 =	sshll.u32 s26, $0x1;
	_ =	strace $0x80000046;
	[dreg:$0x1] =	wrdreg $0xFFFFFFFF  }
0xa9: {  	s28 =	simm.s32 $_size_execute0_lowered;
	s5 =	sadd.s32 s5, s7;
	[dreg:$0x0] =	wrdreg $0x0  }
0xaa: {  	s7 =	sshll.u32 s28, $0x1;
	[dreg:$0x2] =	wrdreg s5  }
0xab: {  	[dreg:$0x3] =	wrdreg s7  }
0xac: {  	[dreg:$0x4] =	wrdreg $0xC0  }
0xad: {  	_ =	task [dreg:s9], $0x5FFFF  }
0xae: {  	[dreg:$0x1] =	wrdreg $0xFFFFFFFF  }
0xaf: {  	[dreg:$0x0] =	wrdreg $0x60  }
0xb0: {  	[dreg:$0x2] =	wrdreg s24  }
0xb1: {  	[dreg:$0x3] =	wrdreg s2  }
0xb2: {  	[dreg:$0x4] =	wrdreg s18  }
0xb3: {  	[dreg:$0x5] =	wrdreg s4  }
0xb4: {  	[dreg:$0x6] =	wrdreg $0x9  }
0xb5: {  	_ =	task.clear_ibuf [dreg:s9], $0x7FFFF;
	_ =	strace $0x90000046  }
0xb6: {  	s29 =	simm.s32 $0x9;
	_ =	strace $0x80000048  }
0xb7: {  	_ =	swait.ge [sflag:s29], $0x1  }
0xb8: {  	[sflag:s29] =	ssyncadd.s32 $0xFFFFFFFF  }
0xb9: {  	_ =	strace $0x90000048  }
0xba: {  	_ =	sfence  }
0xbb: {  	s30 =	sld [smem:$0x0];
	_ =	sdelay $0x2  }
0xbc: {  	s31 =	sshll.u32 s1, $0xD;
	s1 =	sshrl.u32 s1, $0x2  }
0xbd: {  	s3 =	sand.u32 $0x4000, s31;
	s1 =	sadd.s32 s1, s30  }
0xbe: {  	s0 =	sor.u32 s3, s0;
	s1 =	sshll.u32 s1, $0x11  }
0xbf: {  	s0 =	sor.u32 s1, s0  }
0xc0: {  	s0 =	sadd.s32 $0x8F2B, s0  }
0xc1: {  	[sflag:s0] =	ssyncadd.remote.s32 $0x1  }
0xc2: {  	_ =	sfence.sel $0xFFFF  }
0xc3: {  	[dreg:$0x0] =	wrdreg $0xFFFFFFFF;
	(pc) =	sbr.abs _section_cstart, $3  }
0xc4: {  	[dreg:$0x1] =	wrdreg $0xFFFFFFFF  }
0xc5: {  	_ =	task.clear_ibuf [dreg:s9], $0x2FFFF;
	_ =	strace $0x9FFFFFFF  }
0xc6: {  	(tm) =	ssettm $0x7FFFFFFF  }
0xc7: {  	_ =	shalt  }
tec
execute0_lowered:
.L_overlay_start_1:
0x0: {  	(tag) =	ssettag $0x1  }
0x1: {  	v1 =	vlaneseq.u32  }
0x2: {  	v63 =	vmul.u32 $0x80, v1;
	_ =	sdelay $0x1  }
0x3: {  	v0 =	vor.u32 $0x1, v63  }
0x4: {  	[tilespmem:$0x1FBF0] =	vst v0;
	v0 =	vor.u32 $0x800, v63  }
0x5: {  	[tilespmem:$0x1FC00] =	vst v0;
	v0 =	vor.u32 $0x801, v63  }
0x6: {  	[tilespmem:$0x1FC10] =	vst v0;
	v0 =	vor.u32 $0x1000, v63  }
0x7: {  	[tilespmem:$0x1FC20] =	vst v0;
	v0 =	vor.u32 $0x1001, v63  }
0x8: {  	[tilespmem:$0x1FC30] =	vst v0;
	v0 =	vor.u32 $0x1800, v63  }
0x9: {  	[tilespmem:$0x1FC40] =	vst v0;
	v0 =	vor.u32 $0x1801, v63  }
0xa: {  	[tilespmem:$0x1FC50] =	vst v0;
	v0 =	vor.u32 $0x2000, v63  }
0xb: {  	[tilespmem:$0x1FC60] =	vst v0;
	v0 =	vor.u32 $0x2001, v63  }
0xc: {  	[tilespmem:$0x1FC70] =	vst v0;
	v0 =	vor.u32 $0x2800, v63  }
0xd: {  	[tilespmem:$0x1FC80] =	vst v0;
	v0 =	vor.u32 $0x2801, v63  }
0xe: {  	[tilespmem:$0x1FC90] =	vst v0;
	v0 =	vor.u32 $0x3000, v63  }
0xf: {  	[tilespmem:$0x1FCA0] =	vst v0;
	v0 =	vor.u32 $0x3001, v63  }
0x10: {  	[tilespmem:$0x1FCB0] =	vst v0;
	v0 =	vor.u32 $0x3800, v63  }
0x11: {  	[tilespmem:$0x1FCC0] =	vst v0;
	v0 =	vor.u32 $0x3801, v63  }
0x12: {  	[tilespmem:$0x1FCD0] =	vst v0;
	v0 =	vor.u32 $0x4000, v63  }
0x13: {  	[tilespmem:$0x1FCE0] =	vst v0;
	v0 =	vor.u32 $0x4001, v63  }
0x14: {  	[tilespmem:$0x1FCF0] =	vst v0;
	v0 =	vor.u32 $0x4800, v63  }
0x15: {  	[tilespmem:$0x1FD00] =	vst v0;
	v0 =	vor.u32 $0x4801, v63  }
0x16: {  	[tilespmem:$0x1FD10] =	vst v0;
	v0 =	vor.u32 $0x5000, v63  }
0x17: {  	[tilespmem:$0x1FD20] =	vst v0;
	v0 =	vor.u32 $0x5001, v63  }
0x18: {  	[tilespmem:$0x1FD30] =	vst v0;
	v0 =	vor.u32 $0x5800, v63  }
0x19: {  	[tilespmem:$0x1FD40] =	vst v0;
	v0 =	vor.u32 $0x5801, v63  }
0x1a: {  	[tilespmem:$0x1FD50] =	vst v0;
	v0 =	vor.u32 $0x6000, v63  }
0x1b: {  	[tilespmem:$0x1FD60] =	vst v0;
	v0 =	vor.u32 $0x6001, v63  }
0x1c: {  	[tilespmem:$0x1FD70] =	vst v0;
	v0 =	vor.u32 $0x6800, v63  }
0x1d: {  	[tilespmem:$0x1FD80] =	vst v0;
	v0 =	vor.u32 $0x6801, v63  }
0x1e: {  	[tilespmem:$0x1FD90] =	vst v0;
	v0 =	vor.u32 $0x7000, v63  }
0x1f: {  	[tilespmem:$0x1FDA0] =	vst v0;
	v0 =	vor.u32 $0x7001, v63  }
0x20: {  	[tilespmem:$0x1FDB0] =	vst v0;
	v0 =	vor.u32 $0x7800, v63  }
0x21: {  	[tilespmem:$0x1FDC0] =	vst v0;
	v0 =	vor.u32 $0x7801, v63  }
0x22: {  	[tilespmem:$0x1FDD0] =	vst v0;
	v0 =	vor.u32 $0x8000, v63  }
0x23: {  	[tilespmem:$0x1FDE0] =	vst v0;
	v0 =	vor.u32 $0x8001, v63  }
0x24: {  	[tilespmem:$0x1FDF0] =	vst v0;
	v0 =	vor.u32 $0x8800, v63  }
0x25: {  	[tilespmem:$0x1FE00] =	vst v0;
	v0 =	vor.u32 $0x8801, v63  }
0x26: {  	[tilespmem:$0x1FE10] =	vst v0;
	v0 =	vor.u32 $0x9000, v63  }
0x27: {  	[tilespmem:$0x1FE20] =	vst v0;
	v0 =	vor.u32 $0x9001, v63  }
0x28: {  	[tilespmem:$0x1FE30] =	vst v0;
	v0 =	vor.u32 $0x9800, v63  }
0x29: {  	[tilespmem:$0x1FE40] =	vst v0;
	v0 =	vor.u32 $0x9801, v63  }
0x2a: {  	[tilespmem:$0x1FE50] =	vst v0;
	v0 =	vor.u32 $0xA000, v63  }
0x2b: {  	s5 =	rddreg [dreg:$0x0];
	[tilespmem:$0x1FE60] =	vst v0;
	v0 =	vor.u32 $0xA001, v63  }
0x2c: {  	s0 =	rddreg [dreg:$0x1];
	[tilespmem:$0x1FE70] =	vst v0;
	v0 =	vor.u32 $0xA800, v63  }
0x2d: {  	s1 =	rddreg [dreg:$0x2];
	s4 =	srdreg.scid;
	[tilespmem:$0x1FE80] =	vst v0;
	v0 =	vor.u32 $0xA801, v63  }
0x2e: {  	s6 =	rddreg [dreg:$0x3];
	s7 =	sand.u32 $0x1, s4;
	s4 =	simm.s32 $0x0;
	[tilespmem:$0x1FE90] =	vst v0;
	v0 =	vor.u32 $0xB000, v63  }
0x2f: {  	[smem:$0x7FF] =	sst s4;
	[tilespmem:$0x1FEA0] =	vst v0;
	v0 =	vor.u32 $0xB001, v63  }
0x30: {  	s2 =	rddreg [dreg:$0x4];
	_ =	strace $0x80000047;
	[tilespmem:$0x1FEB0] =	vst v0  }
0x31: {  	v0 =	vor.u32 $0xB800, v63;
	[tilespmem:$0x1FFF0] =	vst v63  }
0x32: {  	[tilespmem:$0x1FEC0] =	vst v0;
	v0 =	vor.u32 $0xB801, v63  }
0x33: {  	[tilespmem:$0x1FED0] =	vst v0;
	v0 =	vor.u32 $0xC000, v63  }
0x34: {  	[tilespmem:$0x1FEE0] =	vst v0;
	v0 =	vor.u32 $0xC001, v63  }
0x35: {  	[tilespmem:$0x1FEF0] =	vst v0;
	v0 =	vor.u32 $0xC800, v63  }
0x36: {  	[tilespmem:$0x1FF00] =	vst v0;
	v0 =	vor.u32 $0xC801, v63  }
0x37: {  	[tilespmem:$0x1FF10] =	vst v0;
	v0 =	vor.u32 $0xD000, v63  }
0x38: {  	[tilespmem:$0x1FF20] =	vst v0;
	v0 =	vor.u32 $0xD001, v63  }
0x39: {  	[tilespmem:$0x1FF30] =	vst v0;
	v0 =	vor.u32 $0xD800, v63  }
0x3a: {  	v2 =	vimm.s32 $0xFEDCBA9;
	v3 =	vimm.s32 $0x87654321;
	[tilespmem:$0x1FF40] =	vst v0;
	v0 =	vor.u32 $0xD801, v63  }
0x3b: {  	s3 =	stileid.u32;
	s10 =	simm.s32 $0x10000;
	s11 =	simm.s32 $0x10400;
	v2 =	vunpack.c.l.s4.s8 v2;
	v3 =	vunpack.c.l.s4.s8 v3;
	[tilespmem:$0x1FF50] =	vst v0;
	v0 =	vor.u32 $0xE000, v63  }
0x3c: {  	s12 =	simm.s32 $0x10200;
	s13 =	simm.s32 $0x14400;
	s14 =	simm.s32 $0x10040;
	[tilespmem:$0x1FF60] =	vst v0;
	v0 =	vor.u32 $0xE001, v63  }
0x3d: {  	s15 =	simm.s32 $0x12400;
	s16 =	simm.s32 $0x10240;
	s17 =	simm.s32 $0x16400;
	v2 =	vunpack.c.0.s8.s32 v2;
	v3 =	vunpack.c.0.s8.s32 v3;
	[tilespmem:$0x1FF70] =	vst v0;
	v0 =	vor.u32 $0xE800, v63  }
0x3e: {  	s18 =	simm.s32 $0x1;
	s19 =	simm.s32 $0x3;
	s20 =	simm.s32 $0x2;
	[tilespmem:$0x1FF80] =	vst v0;
	v0 =	vor.u32 $0xE801, v63  }
0x3f: {  	s21 =	simm.s32 $0x4;
	s22 =	simm.s32 $0x18400;
	s8 =	sshll.u32 s3, $0xA;
	v2 =	vcombine.low v3, v2;
	[tilespmem:$0x1FF90] =	vst v0;
	v0 =	vor.u32 $0xF000, v63  }
.Ltmp0:
0x40: {  	s9 =	sshll.u32 s7, $0x9;
	s7 =	ssub.s32 $0x2, s7;
	[tilespmem:$0x1FFA0] =	vst v0;
	v0 =	vor.u32 $0xF001, v63;
	(pc) =	sbr.rel .LBB2_1-.Ltmp0, $4  }
0x41: {  	s23 =	simm.s32 $0x0;
	s8 =	sor.u32 s9, s8;
	s31 =	sshrl.u32 s7, $0x1;
	[tilespmem:$0x1FFB0] =	vst v0;
	v0 =	vand.u32 $0xF, v2  }
0x42: {  	s9 =	sshll.u32 s8, $0x4;
	s7 =	ssub.s32 s7, s31;
	s8 =	sshrl.u32 s8, $0x3;
	[tilespmem:$0x1FFC0] =	vst v0;
	v0 =	vor.u32 $0xF800, v63  }
0x43: {  	s5 =	sadd.s32 s9, s5;
	s6 =	sadd.s32 s6, s8;
	s7 =	smax.u32 s7, $0x1;
	[tilespmem:$0x1FFD0] =	vst v0;
	v0 =	vor.u32 $0xF801, v63  }
0x44: {  	s8 =	simm.s32 $0x5;
	s9 =	simm.s32 $0x40;
	s5 =	sadd.s32 $0x400, s5;
	[tilespmem:$0x1FFE0] =	vst v0  }
.LBB2_12:
0x45: {  	s23 =	sadd.s32 $0x1, s23  }
0x46: {  	p0 =	sne.s32 s23, s7  }
.Ltmp1:
0x47: {  	_ = 	snop;
	(pc) =	sbr.rel @!p0 .LBB2_13-.Ltmp1, $4  }
0x48: {  	[hbm4b:s6+s4] =	stream.linear.scatter [tilespmem:s22], [sflag:$0x5], $0x200, $0x38;
	[tilespmem:$0x18600] =	vst v63  }
0x49: {  	_ =	swait.ge [sflag:s8], $0x200  }
0x4a: {  	[sflag:s8] =	ssyncset.done $0x0  }
0x4b: {  	[sflag:s8] =	ssyncadd.s32 $0xFFFFFE00  }
.LBB2_1:
0x4c: {  	[tilespmem:s4], [sflag:$0x5] =	stream.linear.gather [hbm4b:s5+s4], $0x10000, $0x38;
	[tilespmem:$0x18600] =	vst v63  }
0x4d: {  	_ =	swait.ge [sflag:s8], $0x10000  }
0x4e: {  	[sflag:s8] =	ssyncset.done $0x0;
	v0 =	vld [tilespmem:$0x1FBF0]  }
0x4f: {  	[sflag:s8] =	ssyncadd.s32 $0xFFFF0000  }
0x50: {  	v4 =	vld.idx.msk [tilespmem:v63+s4+$0x0], $0xffff;
	_ =	sdelay $0x4  }
0x51: {  	[tilespmem:$0x10000] =	vst v4  }
0x52: {  	v4 =	vld.idx.msk [tilespmem:v0+s4+$0x0], $0xffff  }
0x53: {  	v0 =	vld [tilespmem:$0x1FC00];
	_ =	sdelay $0x6  }
0x54: {  	[tilespmem:$0x10200] =	vst v4  }
0x55: {  	v4 =	vld.idx.msk [tilespmem:v0+s4+$0x0], $0xffff  }
0x56: {  	v0 =	vld [tilespmem:$0x1FC10];
	_ =	sdelay $0x6  }
0x57: {  	[tilespmem:$0x10010] =	vst v4  }
0x58: {  	v4 =	vld.idx.msk [tilespmem:v0+s4+$0x0], $0xffff  }
0x59: {  	v0 =	vld [tilespmem:$0x1FC20];
	_ =	sdelay $0x6  }
0x5a: {  	[tilespmem:$0x10210] =	vst v4  }
0x5b: {  	v4 =	vld.idx.msk [tilespmem:v0+s4+$0x0], $0xffff  }
0x5c: {  	v0 =	vld [tilespmem:$0x1FC30];
	_ =	sdelay $0x6  }
0x5d: {  	[tilespmem:$0x10020] =	vst v4  }
0x5e: {  	v4 =	vld.idx.msk [tilespmem:v0+s4+$0x0], $0xffff  }
0x5f: {  	v0 =	vld [tilespmem:$0x1FC40];
	_ =	sdelay $0x6  }
0x60: {  	[tilespmem:$0x10220] =	vst v4  }
0x61: {  	v4 =	vld.idx.msk [tilespmem:v0+s4+$0x0], $0xffff  }
0x62: {  	v0 =	vld [tilespmem:$0x1FC50];
	_ =	sdelay $0x6  }
0x63: {  	[tilespmem:$0x10030] =	vst v4  }
0x64: {  	v4 =	vld.idx.msk [tilespmem:v0+s4+$0x0], $0xffff  }
0x65: {  	v0 =	vld [tilespmem:$0x1FC60];
	_ =	sdelay $0x6  }
0x66: {  	[tilespmem:$0x10230] =	vst v4  }
0x67: {  	v4 =	vld.idx.msk [tilespmem:v0+s4+$0x0], $0xffff  }
0x68: {  	v0 =	vld [tilespmem:$0x1FC70];
	_ =	sdelay $0x6  }
0x69: {  	[tilespmem:$0x10040] =	vst v4  }
0x6a: {  	v4 =	vld.idx.msk [tilespmem:v0+s4+$0x0], $0xffff  }
0x6b: {  	v0 =	vld [tilespmem:$0x1FC80];
	_ =	sdelay $0x6  }
0x6c: {  	[tilespmem:$0x10240] =	vst v4  }
0x6d: {  	v4 =	vld.idx.msk [tilespmem:v0+s4+$0x0], $0xffff  }
0x6e: {  	v0 =	vld [tilespmem:$0x1FC90];
	_ =	sdelay $0x6  }
0x6f: {  	[tilespmem:$0x10050] =	vst v4  }
0x70: {  	v4 =	vld.idx.msk [tilespmem:v0+s4+$0x0], $0xffff  }
0x71: {  	v0 =	vld [tilespmem:$0x1FCA0];
	_ =	sdelay $0x6  }
0x72: {  	[tilespmem:$0x10250] =	vst v4  }
0x73: {  	v4 =	vld.idx.msk [tilespmem:v0+s4+$0x0], $0xffff  }
0x74: {  	v0 =	vld [tilespmem:$0x1FCB0];
	_ =	sdelay $0x6  }
0x75: {  	[tilespmem:$0x10060] =	vst v4  }
0x76: {  	v4 =	vld.idx.msk [tilespmem:v0+s4+$0x0], $0xffff  }
0x77: {  	v0 =	vld [tilespmem:$0x1FCC0];
	_ =	sdelay $0x6  }
0x78: {  	[tilespmem:$0x10260] =	vst v4  }
0x79: {  	v4 =	vld.idx.msk [tilespmem:v0+s4+$0x0], $0xffff  }
0x7a: {  	v0 =	vld [tilespmem:$0x1FCD0];
	_ =	sdelay $0x6  }
0x7b: {  	[tilespmem:$0x10070] =	vst v4  }
0x7c: {  	v4 =	vld.idx.msk [tilespmem:v0+s4+$0x0], $0xffff  }
0x7d: {  	v0 =	vld [tilespmem:$0x1FCE0];
	_ =	sdelay $0x6  }
0x7e: {  	[tilespmem:$0x10270] =	vst v4  }
0x7f: {  	v4 =	vld.idx.msk [tilespmem:v0+s4+$0x0], $0xffff  }
0x80: {  	v0 =	vld [tilespmem:$0x1FCF0];
	_ =	sdelay $0x6  }
0x81: {  	[tilespmem:$0x10080] =	vst v4  }
0x82: {  	v4 =	vld.idx.msk [tilespmem:v0+s4+$0x0], $0xffff  }
0x83: {  	v0 =	vld [tilespmem:$0x1FD00];
	_ =	sdelay $0x6  }
0x84: {  	[tilespmem:$0x10280] =	vst v4  }
0x85: {  	v4 =	vld.idx.msk [tilespmem:v0+s4+$0x0], $0xffff  }
0x86: {  	v0 =	vld [tilespmem:$0x1FD10];
	_ =	sdelay $0x6  }
0x87: {  	[tilespmem:$0x10090] =	vst v4  }
0x88: {  	v4 =	vld.idx.msk [tilespmem:v0+s4+$0x0], $0xffff  }
0x89: {  	v0 =	vld [tilespmem:$0x1FD20];
	_ =	sdelay $0x6  }
0x8a: {  	[tilespmem:$0x10290] =	vst v4  }
0x8b: {  	v4 =	vld.idx.msk [tilespmem:v0+s4+$0x0], $0xffff  }
0x8c: {  	v0 =	vld [tilespmem:$0x1FD30];
	_ =	sdelay $0x6  }
0x8d: {  	[tilespmem:$0x100A0] =	vst v4  }
0x8e: {  	v4 =	vld.idx.msk [tilespmem:v0+s4+$0x0], $0xffff  }
0x8f: {  	v0 =	vld [tilespmem:$0x1FD40];
	_ =	sdelay $0x6  }
0x90: {  	[tilespmem:$0x102A0] =	vst v4  }
0x91: {  	v4 =	vld.idx.msk [tilespmem:v0+s4+$0x0], $0xffff  }
0x92: {  	v0 =	vld [tilespmem:$0x1FD50];
	_ =	sdelay $0x6  }
0x93: {  	[tilespmem:$0x100B0] =	vst v4  }
0x94: {  	v4 =	vld.idx.msk [tilespmem:v0+s4+$0x0], $0xffff  }
0x95: {  	v0 =	vld [tilespmem:$0x1FD60];
	_ =	sdelay $0x6  }
0x96: {  	[tilespmem:$0x102B0] =	vst v4  }
0x97: {  	v4 =	vld.idx.msk [tilespmem:v0+s4+$0x0], $0xffff  }
0x98: {  	v0 =	vld [tilespmem:$0x1FD70];
	_ =	sdelay $0x6  }
0x99: {  	[tilespmem:$0x100C0] =	vst v4  }
0x9a: {  	v4 =	vld.idx.msk [tilespmem:v0+s4+$0x0], $0xffff  }
0x9b: {  	v0 =	vld [tilespmem:$0x1FD80];
	_ =	sdelay $0x6  }
0x9c: {  	[tilespmem:$0x102C0] =	vst v4  }
0x9d: {  	v4 =	vld.idx.msk [tilespmem:v0+s4+$0x0], $0xffff  }
0x9e: {  	v0 =	vld [tilespmem:$0x1FD90];
	_ =	sdelay $0x6  }
0x9f: {  	[tilespmem:$0x100D0] =	vst v4  }
0xa0: {  	v4 =	vld.idx.msk [tilespmem:v0+s4+$0x0], $0xffff  }
0xa1: {  	v0 =	vld [tilespmem:$0x1FDA0];
	_ =	sdelay $0x6  }
0xa2: {  	[tilespmem:$0x102D0] =	vst v4  }
0xa3: {  	v4 =	vld.idx.msk [tilespmem:v0+s4+$0x0], $0xffff  }
0xa4: {  	v0 =	vld [tilespmem:$0x1FDB0];
	_ =	sdelay $0x6  }
0xa5: {  	[tilespmem:$0x100E0] =	vst v4  }
0xa6: {  	v4 =	vld.idx.msk [tilespmem:v0+s4+$0x0], $0xffff  }
0xa7: {  	v0 =	vld [tilespmem:$0x1FDC0];
	_ =	sdelay $0x6  }
0xa8: {  	[tilespmem:$0x102E0] =	vst v4  }
0xa9: {  	v4 =	vld.idx.msk [tilespmem:v0+s4+$0x0], $0xffff  }
0xaa: {  	v0 =	vld [tilespmem:$0x1FDD0];
	_ =	sdelay $0x6  }
0xab: {  	[tilespmem:$0x100F0] =	vst v4  }
0xac: {  	v4 =	vld.idx.msk [tilespmem:v0+s4+$0x0], $0xffff  }
0xad: {  	v0 =	vld [tilespmem:$0x1FDE0];
	_ =	sdelay $0x6  }
0xae: {  	[tilespmem:$0x102F0] =	vst v4  }
0xaf: {  	v4 =	vld.idx.msk [tilespmem:v0+s4+$0x0], $0xffff  }
0xb0: {  	v0 =	vld [tilespmem:$0x1FDF0];
	_ =	sdelay $0x6  }
0xb1: {  	[tilespmem:$0x10100] =	vst v4  }
0xb2: {  	v4 =	vld.idx.msk [tilespmem:v0+s4+$0x0], $0xffff  }
0xb3: {  	v0 =	vld [tilespmem:$0x1FE00];
	_ =	sdelay $0x6  }
0xb4: {  	[tilespmem:$0x10300] =	vst v4  }
0xb5: {  	v4 =	vld.idx.msk [tilespmem:v0+s4+$0x0], $0xffff  }
0xb6: {  	v0 =	vld [tilespmem:$0x1FE10];
	_ =	sdelay $0x6  }
0xb7: {  	[tilespmem:$0x10110] =	vst v4  }
0xb8: {  	v4 =	vld.idx.msk [tilespmem:v0+s4+$0x0], $0xffff  }
0xb9: {  	v0 =	vld [tilespmem:$0x1FE20];
	_ =	sdelay $0x6  }
0xba: {  	[tilespmem:$0x10310] =	vst v4  }
0xbb: {  	v4 =	vld.idx.msk [tilespmem:v0+s4+$0x0], $0xffff  }
0xbc: {  	v0 =	vld [tilespmem:$0x1FE30];
	_ =	sdelay $0x6  }
0xbd: {  	[tilespmem:$0x10120] =	vst v4  }
0xbe: {  	v4 =	vld.idx.msk [tilespmem:v0+s4+$0x0], $0xffff  }
0xbf: {  	v0 =	vld [tilespmem:$0x1FE40];
	_ =	sdelay $0x6  }
0xc0: {  	[tilespmem:$0x10320] =	vst v4  }
0xc1: {  	v4 =	vld.idx.msk [tilespmem:v0+s4+$0x0], $0xffff  }
0xc2: {  	v0 =	vld [tilespmem:$0x1FE50];
	_ =	sdelay $0x6  }
0xc3: {  	[tilespmem:$0x10130] =	vst v4  }
0xc4: {  	v4 =	vld.idx.msk [tilespmem:v0+s4+$0x0], $0xffff  }
0xc5: {  	v0 =	vld [tilespmem:$0x1FE60];
	_ =	sdelay $0x6  }
0xc6: {  	[tilespmem:$0x10330] =	vst v4  }
0xc7: {  	v4 =	vld.idx.msk [tilespmem:v0+s4+$0x0], $0xffff  }
0xc8: {  	v0 =	vld [tilespmem:$0x1FE70];
	_ =	sdelay $0x6  }
0xc9: {  	[tilespmem:$0x10140] =	vst v4  }
0xca: {  	v4 =	vld.idx.msk [tilespmem:v0+s4+$0x0], $0xffff  }
0xcb: {  	v0 =	vld [tilespmem:$0x1FE80];
	_ =	sdelay $0x6  }
0xcc: {  	[tilespmem:$0x10340] =	vst v4  }
0xcd: {  	v4 =	vld.idx.msk [tilespmem:v0+s4+$0x0], $0xffff  }
0xce: {  	v0 =	vld [tilespmem:$0x1FE90];
	_ =	sdelay $0x6  }
0xcf: {  	[tilespmem:$0x10150] =	vst v4  }
0xd0: {  	v4 =	vld.idx.msk [tilespmem:v0+s4+$0x0], $0xffff  }
0xd1: {  	v0 =	vld [tilespmem:$0x1FEA0];
	_ =	sdelay $0x6  }
0xd2: {  	[tilespmem:$0x10350] =	vst v4  }
0xd3: {  	v4 =	vld.idx.msk [tilespmem:v0+s4+$0x0], $0xffff  }
0xd4: {  	v0 =	vld [tilespmem:$0x1FEB0];
	_ =	sdelay $0x6  }
0xd5: {  	[tilespmem:$0x10160] =	vst v4  }
0xd6: {  	v4 =	vld.idx.msk [tilespmem:v0+s4+$0x0], $0xffff  }
0xd7: {  	v0 =	vld [tilespmem:$0x1FEC0];
	_ =	sdelay $0x6  }
0xd8: {  	[tilespmem:$0x10360] =	vst v4  }
0xd9: {  	v4 =	vld.idx.msk [tilespmem:v0+s4+$0x0], $0xffff  }
0xda: {  	v0 =	vld [tilespmem:$0x1FED0];
	_ =	sdelay $0x6  }
0xdb: {  	[tilespmem:$0x10170] =	vst v4  }
0xdc: {  	v4 =	vld.idx.msk [tilespmem:v0+s4+$0x0], $0xffff  }
0xdd: {  	v0 =	vld [tilespmem:$0x1FEE0];
	_ =	sdelay $0x6  }
0xde: {  	[tilespmem:$0x10370] =	vst v4  }
0xdf: {  	v4 =	vld.idx.msk [tilespmem:v0+s4+$0x0], $0xffff  }
0xe0: {  	v0 =	vld [tilespmem:$0x1FEF0];
	_ =	sdelay $0x6  }
0xe1: {  	[tilespmem:$0x10180] =	vst v4  }
0xe2: {  	v4 =	vld.idx.msk [tilespmem:v0+s4+$0x0], $0xffff  }
0xe3: {  	v0 =	vld [tilespmem:$0x1FF00];
	_ =	sdelay $0x6  }
0xe4: {  	[tilespmem:$0x10380] =	vst v4  }
0xe5: {  	v4 =	vld.idx.msk [tilespmem:v0+s4+$0x0], $0xffff  }
0xe6: {  	v0 =	vld [tilespmem:$0x1FF10];
	_ =	sdelay $0x6  }
0xe7: {  	[tilespmem:$0x10190] =	vst v4  }
0xe8: {  	v4 =	vld.idx.msk [tilespmem:v0+s4+$0x0], $0xffff  }
0xe9: {  	v0 =	vld [tilespmem:$0x1FF20];
	_ =	sdelay $0x6  }
0xea: {  	[tilespmem:$0x10390] =	vst v4  }
0xeb: {  	v4 =	vld.idx.msk [tilespmem:v0+s4+$0x0], $0xffff  }
0xec: {  	v0 =	vld [tilespmem:$0x1FF30];
	_ =	sdelay $0x6  }
0xed: {  	[tilespmem:$0x101A0] =	vst v4  }
0xee: {  	v4 =	vld.idx.msk [tilespmem:v0+s4+$0x0], $0xffff  }
0xef: {  	v0 =	vld [tilespmem:$0x1FF40];
	_ =	sdelay $0x6  }
0xf0: {  	[tilespmem:$0x103A0] =	vst v4  }
0xf1: {  	v4 =	vld.idx.msk [tilespmem:v0+s4+$0x0], $0xffff  }
0xf2: {  	v0 =	vld [tilespmem:$0x1FF50];
	_ =	sdelay $0x6  }
0xf3: {  	[tilespmem:$0x101B0] =	vst v4  }
0xf4: {  	v4 =	vld.idx.msk [tilespmem:v0+s4+$0x0], $0xffff  }
0xf5: {  	v0 =	vld [tilespmem:$0x1FF60];
	_ =	sdelay $0x6  }
0xf6: {  	[tilespmem:$0x103B0] =	vst v4  }
0xf7: {  	v4 =	vld.idx.msk [tilespmem:v0+s4+$0x0], $0xffff  }
0xf8: {  	v0 =	vld [tilespmem:$0x1FF70];
	_ =	sdelay $0x6  }
0xf9: {  	[tilespmem:$0x101C0] =	vst v4  }
0xfa: {  	v4 =	vld.idx.msk [tilespmem:v0+s4+$0x0], $0xffff  }
0xfb: {  	v0 =	vld [tilespmem:$0x1FF80];
	_ =	sdelay $0x6  }
0xfc: {  	[tilespmem:$0x103C0] =	vst v4  }
0xfd: {  	v4 =	vld.idx.msk [tilespmem:v0+s4+$0x0], $0xffff  }
0xfe: {  	v0 =	vld [tilespmem:$0x1FF90];
	_ =	sdelay $0x6  }
0xff: {  	[tilespmem:$0x101D0] =	vst v4  }
0x100: {  	v4 =	vld.idx.msk [tilespmem:v0+s4+$0x0], $0xffff  }
0x101: {  	v0 =	vld [tilespmem:$0x1FFA0];
	_ =	sdelay $0x6  }
0x102: {  	[tilespmem:$0x103D0] =	vst v4  }
0x103: {  	v4 =	vld.idx.msk [tilespmem:v0+s4+$0x0], $0xffff  }
0x104: {  	v0 =	vld [tilespmem:$0x1FFB0];
	_ =	sdelay $0x6  }
0x105: {  	[tilespmem:$0x101E0] =	vst v4  }
0x106: {  	v4 =	vld.idx.msk [tilespmem:v0+s4+$0x0], $0xffff  }
0x107: {  	v0 =	vld [tilespmem:$0x1FFD0];
	_ =	sdelay $0x6  }
0x108: {  	[tilespmem:$0x103E0] =	vst v4  }
0x109: {  	v4 =	vld.idx.msk [tilespmem:v0+s4+$0x0], $0xffff  }
0x10a: {  	v0 =	vld [tilespmem:$0x1FFE0];
	_ =	sdelay $0x6  }
0x10b: {  	[tilespmem:$0x101F0] =	vst v4  }
0x10c: {  	v4 =	vld.idx.msk [tilespmem:v0+s4+$0x0], $0xffff;
	_ =	sdelay $0x4  }
0x10d: {  	[tilespmem:$0x103F0] =	vst v4  }
0x10e: {  	[tilespmem:s11], [sflag:$0x1] =	stream.indirect.gather [hbm4b:s0+s9], $0x80, s10, s9, $0xb8;
	[tilespmem:$0x18600] =	vst v63  }
0x10f: {  	_ = 	snop  }
0x110: {  	[tilespmem:s13], [sflag:$0x3] =	stream.indirect.gather [hbm4b:s1+s9], $0x80, s12, s9, $0xb8;
	[tilespmem:$0x18600] =	vst v63  }
0x111: {  	_ = 	snop  }
0x112: {  	[tilespmem:s15], [sflag:$0x2] =	stream.indirect.gather [hbm4b:s0+s9], $0x80, s14, s9, $0xb8;
	[tilespmem:$0x18600] =	vst v63  }
0x113: {  	s24 =	simm.s32 $0x0  }
0x114: {  	[tilespmem:s17], [sflag:$0x4] =	stream.indirect.gather [hbm4b:s1+s9], $0x80, s16, s9, $0xb8;
	[tilespmem:$0x18600] =	vst v63  }
.LBB2_2:
0x115: {  	_ =	swait.ge [sflag:s18], $0x2000  }
0x116: {  	s25 =	sshll.u32 s24, $0x7;
	[sflag:s18] =	ssyncset.done $0x0  }
0x117: {  	s26 =	sand.u32 $0x3FFFFF80, s25;
	[sflag:s18] =	ssyncadd.s32 $0xFFFFE000  }
0x118: {  	s28 =	sadd.s32 $0x18400, s26;
	_ =	swait.ge [sflag:s19], $0x2000  }
0x119: {  	v0 =	vmov s28;
	[sflag:s19] =	ssyncset.done $0x0  }
0x11a: {  	s26 =	simm.s32 $0x0;
	[tilespmem:$0x1FBE0] =	vst v0;
	[sflag:s19] =	ssyncadd.s32 $0xFFFFE000  }
.LBB2_3:
0x11b: {  	v0 =	vld [tilespmem:$0x1FFC0]  }
0x11c: {  	s28 =	sshll.u32 s26, $0x4  }
0x11d: {  	v5 =	vmov s28  }
0x11e: {  	v5 =	vshll.u32 v5, $0x7  }
0x11f: {  	v20 =	vor.u32 v63, v5  }
0x120: {  	s29 =	simm.s32 $0x10;
	v21 =	vor.u32 v1, v20;
	v5 =	vperm.xlane v1, v0  }
0x121: {  	v32 =	vimm.f32 $0.0e+00;
	s30 =	simm.s32 $0x0;
	v10 =	vor.u32 s29, v21  }
0x122: {  	v11 =	vor.u32 s30, v21;
	v7 =	vadd.s32 s29, v5;
	v8 =	vadd.s32 s30, v5  }
0x123: {  	v51 =	vperm.xlane v5, v0;
	v9 =	vand.u32 $0xFFFFFF80, v7;
	v12 =	vand.u32 $0x7F, v7  }
0x124: {  	v7 =	vand.u32 $0xFFFFFF80, v8;
	v8 =	vand.u32 $0x7F, v8;
	v9 =	vadd.s32 v20, v9  }
0x125: {  	v13 =	vadd.s32 s29, v51;
	v14 =	vadd.s32 v20, v7;
	v15 =	vadd.s32 s30, v51  }
0x126: {  	v7 =	vperm.xlane v51, v0;
	v16 =	vand.u32 $0x7F, v13;
	v12 =	vor.u32 v12, v9  }
0x127: {  	v9 =	vand.u32 $0xFFFFFF80, v13;
	v13 =	vor.u32 v8, v14;
	v8 =	vand.u32 $0xFFFFFF80, v15  }
0x128: {  	v17 =	vand.u32 $0x7F, v15;
	v9 =	vadd.s32 v20, v9;
	v14 =	vadd.s32 v20, v8  }
0x129: {  	v15 =	vadd.s32 s30, v7;
	v18 =	vadd.s32 s29, v7;
	v8 =	vperm.xlane v7, v0  }
0x12a: {  	v16 =	vor.u32 v16, v9;
	v19 =	vand.u32 $0x7F, v18;
	v14 =	vor.u32 v17, v14  }
0x12b: {  	v25 =	vld.idx.msk [tilespmem:v10+s13+$0x0], $0xffff;
	v17 =	vand.u32 $0x7F, v15;
	v9 =	vand.u32 $0xFFFFFF80, v18;
	v15 =	vand.u32 $0xFFFFFF80, v15  }
0x12c: {  	v26 =	vld.idx.msk [tilespmem:v11+s11+$0x0], $0xffff;
	v22 =	vadd.s32 v20, v9;
	v23 =	vadd.s32 s29, v8;
	v15 =	vadd.s32 v20, v15  }
0x12d: {  	v18 =	vld.idx.msk [tilespmem:v10+s11+$0x0], $0xffff;
	v24 =	vadd.s32 s30, v8;
	v9 =	vperm.xlane v8, v0;
	v19 =	vor.u32 v19, v22  }
0x12e: {  	v10 =	vand.u32 $0xFFFFFF80, v23;
	v22 =	vand.u32 $0x7F, v23;
	v23 =	vld.idx.msk [tilespmem:v11+s13+$0x0], $0xffff;
	v11 =	vand.u32 $0xFFFFFF80, v24  }
0x12f: {  	v15 =	vor.u32 v17, v15;
	v17 =	vand.u32 $0x7F, v24;
	v11 =	vadd.s32 v20, v11  }
0x130: {  	v24 =	vld.idx.msk [tilespmem:v12+s11+$0x0], $0xffff;
	v27 =	vadd.s32 v20, v10;
	v28 =	vadd.s32 s29, v9;
	v29 =	vadd.s32 s30, v9  }
0x131: {  	v10 =	vperm.xlane v9, v0;
	v36 =	vld.idx.msk [tilespmem:v12+s13+$0x0], $0xffff;
	v27 =	vor.u32 v22, v27;
	v17 =	vor.u32 v17, v11  }
0x132: {  	v22 =	vld.idx.msk [tilespmem:v13+s11+$0x0], $0xffff;
	v11 =	vand.u32 $0xFFFFFF80, v28;
	v12 =	vand.u32 $0x7F, v28;
	v28 =	vand.u32 $0xFFFFFF80, v29  }
0x133: {  	v13 =	vld.idx.msk [tilespmem:v13+s13+$0x0], $0xffff;
	v29 =	vand.u32 $0x7F, v29;
	v30 =	vmul.f32 v25, v18;
	v18 =	vadd.s32 v20, v28  }
0x134: {  	v31 =	vld.idx.msk [tilespmem:v16+s11+$0x0], $0xffff;
	v25 =	vadd.s32 v20, v11;
	v28 =	vadd.s32 s29, v10;
	v34 =	vadd.s32 s30, v10  }
0x135: {  	v2 =	vperm.xlane v10, v0;
	v33 =	vld.idx.msk [tilespmem:v16+s13+$0x0], $0xffff;
	v16 =	vand.u32 $0x7F, v28;
	v25 =	vor.u32 v12, v25  }
0x136: {  	v12 =	vand.u32 $0xFFFFFF80, v28;
	v18 =	vor.u32 v29, v18;
	v37 =	vmul.f32 v23, v26;
	v26 =	vld.idx.msk [tilespmem:v14+s11+$0x0], $0xffff  }
0x137: {  	v28 =	vand.u32 $0x7F, v34;
	v14 =	vld.idx.msk [tilespmem:v14+s13+$0x0], $0xffff;
	v23 =	vand.u32 $0xFFFFFF80, v34;
	v29 =	vadd.s32 v20, v12  }
0x138: {  	v34 =	vld.idx.msk [tilespmem:v19+s11+$0x0], $0xffff;
	v38 =	vadd.s32 s29, v2;
	v39 =	vadd.s32 s30, v2;
	v11 =	vperm.xlane v2, v0  }
0x139: {  	v35 =	vld.idx.msk [tilespmem:v19+s13+$0x0], $0xffff;
	v23 =	vadd.s32 v20, v23;
	v16 =	vor.u32 v16, v29;
	v29 =	vand.u32 $0x7F, v38  }
0x13a: {  	v19 =	vld.idx.msk [tilespmem:v15+s11+$0x0], $0xffff;
	v52 =	vand.u32 $0xFFFFFF80, v39;
	v39 =	vand.u32 $0x7F, v39;
	v36 =	vmul.f32 v36, v24  }
0x13b: {  	v15 =	vld.idx.msk [tilespmem:v15+s13+$0x0], $0xffff;
	v28 =	vor.u32 v28, v23;
	v23 =	vand.u32 $0xFFFFFF80, v38;
	v40 =	vmul.f32 v13, v22  }
0x13c: {  	v22 =	vld.idx.msk [tilespmem:v27+s11+$0x0], $0xffff;
	v41 =	vadd.s32 s29, v11;
	v38 =	vadd.s32 v20, v52;
	v42 =	vadd.s32 s30, v11  }
0x13d: {  	v53 =	vperm.xlane v11, v0;
	v43 =	vld.idx.msk [tilespmem:v17+s11+$0x0], $0xffff;
	v37 =	vadd.f32 v37, v32;
	v24 =	vadd.s32 v20, v23  }
0x13e: {  	v23 =	vld.idx.msk [tilespmem:v27+s13+$0x0], $0xffff;
	v27 =	vand.u32 $0xFFFFFF80, v41;
	v41 =	vand.u32 $0x7F, v41;
	v38 =	vor.u32 v39, v38  }
0x13f: {  	v17 =	vld.idx.msk [tilespmem:v17+s13+$0x0], $0xffff;
	v54 =	vand.u32 $0xFFFFFF80, v42;
	v42 =	vand.u32 $0x7F, v42;
	v29 =	vor.u32 v29, v24  }
0x140: {  	v24 =	vld.idx.msk [tilespmem:v25+s11+$0x0], $0xffff;
	v39 =	vadd.s32 v20, v54;
	v45 =	vadd.s32 s30, v53;
	v55 =	vperm.xlane v53, v0  }
0x141: {  	v46 =	vld.idx.msk [tilespmem:v18+s11+$0x0], $0xffff;
	v32 =	vadd.f32 v40, v32;
	v44 =	vmul.f32 v14, v26;
	v26 =	vadd.s32 v20, v27  }
0x142: {  	v49 =	vld.idx.msk [tilespmem:v18+s13+$0x0], $0xffff;
	v27 =	vadd.s32 s29, v53;
	v39 =	vor.u32 v42, v39;
	v18 =	vand.u32 $0xFFFFFF80, v45  }
0x143: {  	v25 =	vld.idx.msk [tilespmem:v25+s13+$0x0], $0xffff;
	v56 =	vand.u32 $0x7F, v45;
	v45 =	vmul.f32 v15, v19;
	v41 =	vor.u32 v41, v26  }
0x144: {  	v47 =	vand.u32 $0xFFFFFF80, v27;
	v48 =	vand.u32 $0x7F, v27;
	v26 =	vld.idx.msk [tilespmem:v16+s11+$0x0], $0xffff;
	v18 =	vadd.s32 v20, v18  }
0x145: {  	v57 =	vadd.s32 s30, v55;
	v58 =	vperm.xlane v55, v0;
	v27 =	vld.idx.msk [tilespmem:v16+s13+$0x0], $0xffff;
	v19 =	vadd.s32 v20, v47  }
0x146: {  	v13 =	vmovc v51;
	v50 =	vld.idx.msk [tilespmem:v28+s11+$0x0], $0xffff;
	v42 =	vor.u32 v56, v18;
	v16 =	vand.u32 $0xFFFFFF80, v57;
	v18 =	vand.u32 $0x7F, v57  }
0x147: {  	v47 =	vld.idx.msk [tilespmem:v28+s13+$0x0], $0xffff;
	v43 =	vmul.f32 v17, v43;
	v37 =	vadd.f32 v44, v37;
	v32 =	vadd.f32 v45, v32  }
0x148: {  	v15 =	vmovc v53;
	v48 =	vor.u32 v48, v19;
	v19 =	vadd.s32 v20, v16;
	v51 =	vadd.s32 s30, v58;
	v53 =	vld.idx.msk [tilespmem:v38+s11+$0x0], $0xffff  }
0x149: {  	v14 =	vmovc v2;
	v2 =	vperm.xlane v58, v0;
	v38 =	vld.idx.msk [tilespmem:v38+s13+$0x0], $0xffff;
	v52 =	vor.u32 v18, v19;
	v18 =	vand.u32 $0xFFFFFF80, v51  }
0x14a: {  	v28 =	vld.idx.msk [tilespmem:v29+s11+$0x0], $0xffff;
	v19 =	vand.u32 $0x7F, v51;
	v46 =	vmul.f32 v49, v46;
	v37 =	vadd.f32 v43, v37  }
0x14b: {  	v29 =	vld.idx.msk [tilespmem:v29+s13+$0x0], $0xffff;
	v59 =	vadd.s32 s30, v2;
	v1 =	vperm.xlane v2, v0;
	v54 =	vadd.s32 v20, v18  }
0x14c: {  	v57 =	vld.idx.msk [tilespmem:v39+s11+$0x0], $0xffff;
	v18 =	vand.u32 $0xFFFFFF80, v59;
	v51 =	vand.u32 $0x7F, v59;
	v54 =	vor.u32 v19, v54  }
0x14d: {  	v16 =	vmovc v55;
	v39 =	vld.idx.msk [tilespmem:v39+s13+$0x0], $0xffff;
	v32 =	vadd.f32 v46, v32;
	v55 =	vadd.s32 v20, v18;
	v56 =	vadd.s32 s30, v1  }
0x14e: {  	v12 =	vperm.xlane v1, v0;
	v59 =	vld.idx.msk [tilespmem:v42+s11+$0x0], $0xffff;
	v51 =	vor.u32 v51, v55;
	v19 =	vand.u32 $0xFFFFFF80, v56  }
0x14f: {  	v42 =	vld.idx.msk [tilespmem:v42+s13+$0x0], $0xffff;
	v60 =	vand.u32 $0x7F, v56;
	v38 =	vmul.f32 v38, v53;
	v61 =	vadd.s32 v20, v19  }
0x150: {  	v17 =	vmovc v58;
	v58 =	vadd.s32 s30, v12;
	v6 =	vperm.xlane v12, v0;
	v49 =	vld.idx.msk [tilespmem:v52+s13+$0x0], $0xffff;
	v55 =	vor.u32 v60, v61  }
0x151: {  	v62 =	vand.u32 $0xFFFFFF80, v58;
	v58 =	vand.u32 $0x7F, v58;
	v60 =	vadd.s32 s29, v16;
	v45 =	vld.idx.msk [tilespmem:v54+s11+$0x0], $0xffff  }
0x152: {  	v39 =	vmul.f32 v39, v57;
	v56 =	vadd.s32 v20, v62;
	v0 =	vadd.s32 s30, v6;
	v61 =	vld.idx.msk [tilespmem:v54+s13+$0x0], $0xffff  }
0x153: {  	v32 =	vadd.f32 v38, v32;
	v56 =	vor.u32 v58, v56;
	v58 =	vld.idx.msk [tilespmem:v52+s11+$0x0], $0xffff;
	v52 =	vand.u32 $0xFFFFFF80, v0  }
0x154: {  	v40 =	vand.u32 $0x7F, v0;
	v0 =	vadd.s32 s29, v17;
	v42 =	vmul.f32 v42, v59;
	v46 =	vld.idx.msk [tilespmem:v51+s11+$0x0], $0xffff  }
0x155: {  	v62 =	vand.u32 $0xFFFFFF80, v60;
	v44 =	vadd.s32 v20, v52;
	v51 =	vld.idx.msk [tilespmem:v51+s13+$0x0], $0xffff;
	v57 =	vand.u32 $0xFFFFFF80, v0  }
0x156: {  	v40 =	vor.u32 v40, v44;
	v44 =	vmul.f32 v47, v50;
	v42 =	vadd.f32 v42, v32;
	v32 =	vld.idx.msk [tilespmem:v41+s11+$0x0], $0xffff  }
0x157: {  	v43 =	vadd.s32 v20, v62;
	v47 =	vand.u32 $0x7F, v60;
	v38 =	vadd.s32 v20, v57;
	v52 =	vld.idx.msk [tilespmem:v55+s11+$0x0], $0xffff  }
0x158: {  	v47 =	vor.u32 v47, v43;
	v43 =	vand.u32 $0x7F, v0;
	v37 =	vadd.f32 v44, v37;
	v44 =	vld.idx.msk [tilespmem:v55+s13+$0x0], $0xffff  }
0x159: {  	v0 =	vadd.s32 s29, v1;
	v54 =	vor.u32 v43, v38;
	v53 =	vld.idx.msk [tilespmem:v56+s11+$0x0], $0xffff  }
0x15a: {  	v19 =	vmovc v1;
	v1 =	vand.u32 $0xFFFFFF80, v0;
	v38 =	vmul.f32 v49, v58;
	v58 =	vadd.s32 s29, v2;
	v49 =	vld.idx.msk [tilespmem:v56+s13+$0x0], $0xffff  }
0x15b: {  	v18 =	vmovc v2;
	v45 =	vmul.f32 v61, v45;
	v2 =	vadd.s32 v20, v1;
	v59 =	vand.u32 $0xFFFFFF80, v58;
	v60 =	vld.idx.msk [tilespmem:v40+s11+$0x0], $0xffff  }
0x15c: {  	v37 =	vadd.f32 v39, v37;
	v61 =	vand.u32 $0x7F, v58;
	v39 =	vadd.s32 v20, v59;
	v62 =	vld.idx.msk [tilespmem:v40+s13+$0x0], $0xffff  }
0x15d: {  	v46 =	vmul.f32 v51, v46;
	v40 =	vand.u32 $0x7F, v0;
	v56 =	vor.u32 v61, v39;
	v39 =	vld.idx.msk [tilespmem:v41+s13+$0x0], $0xffff  }
0x15e: {  	v42 =	vadd.f32 v45, v42;
	v37 =	vadd.f32 v38, v37;
	v38 =	vld.idx.msk [tilespmem:v48+s11+$0x0], $0xffff;
	v43 =	vor.u32 v40, v2  }
0x15f: {  	v40 =	vld.idx.msk [tilespmem:v48+s13+$0x0], $0xffff;
	v44 =	vmul.f32 v44, v52;
	v49 =	vmul.f32 v49, v53;
	v53 =	vadd.s32 s29, v12  }
0x160: {  	v45 =	vmul.f32 v33, v31;
	v41 =	vld.idx.msk [tilespmem:v47+s11+$0x0], $0xffff;
	v37 =	vadd.f32 v46, v37;
	v57 =	vand.u32 $0xFFFFFF80, v53  }
0x161: {  	v31 =	vld.idx.msk [tilespmem:v54+s11+$0x0], $0xffff;
	v58 =	vadd.f32 v44, v42;
	v59 =	vand.u32 $0x7F, v53;
	v50 =	vmul.f32 v62, v60  }
0x162: {  	v33 =	vld.idx.msk [tilespmem:v54+s13+$0x0], $0xffff;
	v46 =	vadd.s32 v20, v57;
	v60 =	vadd.s32 s29, v6;
	v37 =	vadd.f32 v49, v37  }
0x163: {  	v42 =	vld.idx.msk [tilespmem:v47+s13+$0x0], $0xffff;
	v44 =	vor.u32 v59, v46;
	v61 =	vand.u32 $0xFFFFFF80, v60;
	v48 =	vadd.f32 v50, v58  }
0x164: {  	v46 =	vmul.f32 v35, v34;
	v34 =	vld.idx.msk [tilespmem:v56+s11+$0x0], $0xffff;
	v62 =	vand.u32 $0x7F, v60;
	v49 =	vadd.s32 v20, v61  }
0x165: {  	s30 =	simm.s32 $0x30;
	s29 =	simm.s32 $0x0;
	v47 =	vadd.f32 v30, v37;
	v30 =	vld.idx.msk [tilespmem:v56+s13+$0x0], $0xffff;
	v35 =	vor.u32 v62, v49;
	v36 =	vadd.f32 v36, v48  }
.LBB2_4:
0x166: {  	v37 =	vor.u32 s30, v21;
	v22 =	vmul.f32 v23, v22;
	v23 =	vld.idx.msk [tilespmem:v43+s11+$0x0], $0xffff  }
0x167: {  	s31 =	sadd.s32 $0xFFFFFFF0, s30;
	v24 =	vmul.f32 v25, v24;
	v45 =	vadd.f32 v45, v47;
	v36 =	vadd.f32 v46, v36;
	v25 =	vld.idx.msk [tilespmem:v43+s13+$0x0], $0xffff  }
0x168: {  	v26 =	vmul.f32 v27, v26;
	v43 =	vor.u32 s31, v21;
	v46 =	vadd.s32 s30, v5;
	v27 =	vld.idx.msk [tilespmem:v44+s11+$0x0], $0xffff  }
0x169: {  	v28 =	vmul.f32 v29, v28;
	v22 =	vadd.f32 v22, v45;
	v24 =	vadd.f32 v24, v36;
	v29 =	vld.idx.msk [tilespmem:v44+s13+$0x0], $0xffff  }
0x16a: {  	v32 =	vmul.f32 v39, v32;
	v36 =	vadd.s32 s31, v5;
	v39 =	vld.idx.msk [tilespmem:v35+s11+$0x0], $0xffff  }
0x16b: {  	v22 =	vadd.f32 v26, v22;
	v24 =	vadd.f32 v28, v24;
	v26 =	vmul.f32 v40, v38;
	v28 =	vld.idx.msk [tilespmem:v35+s13+$0x0], $0xffff  }
0x16c: {  	v35 =	vand.u32 $0xFFFFFF80, v46;
	v38 =	vand.u32 $0x7F, v46;
	v40 =	vmul.f32 v42, v41  }
0x16d: {  	v22 =	vadd.f32 v32, v22;
	v24 =	vadd.f32 v26, v24;
	v26 =	vmul.f32 v33, v31  }
0x16e: {  	v30 =	vmul.f32 v30, v34;
	v31 =	vand.u32 $0xFFFFFF80, v36;
	v36 =	vand.u32 $0x7F, v36  }
0x16f: {  	v23 =	vmul.f32 v25, v23;
	v22 =	vadd.f32 v40, v22;
	v24 =	vadd.f32 v26, v24  }
0x170: {  	v25 =	vadd.s32 v20, v35;
	v27 =	vmul.f32 v29, v27;
	v26 =	vadd.s32 s30, v13  }
0x171: {  	v22 =	vadd.f32 v30, v22;
	v23 =	vadd.f32 v23, v24;
	v24 =	vmul.f32 v28, v39  }
0x172: {  	v29 =	vadd.s32 s31, v13;
	v28 =	vadd.s32 v20, v31  }
0x173: {  	v30 =	vand.u32 $0x7F, v26;
	v32 =	vadd.f32 v27, v22;
	v33 =	vadd.f32 v24, v23  }
0x174: {  	v22 =	vand.u32 $0x7F, v29;
	v23 =	vor.u32 v38, v25;
	v24 =	vand.u32 $0xFFFFFF80, v26  }
0x175: {  	v25 =	vor.u32 v36, v28;
	v26 =	vand.u32 $0xFFFFFF80, v29;
	v24 =	vadd.s32 v20, v24  }
0x176: {  	v27 =	vadd.s32 s31, v7;
	v28 =	vadd.s32 s30, v7;
	v26 =	vadd.s32 v20, v26  }
0x177: {  	v29 =	vand.u32 $0x7F, v28;
	v24 =	vor.u32 v30, v24  }
0x178: {  	v28 =	vand.u32 $0xFFFFFF80, v28;
	v22 =	vor.u32 v22, v26;
	v26 =	vand.u32 $0x7F, v27  }
0x179: {  	v31 =	vadd.s32 s30, v8;
	v27 =	vand.u32 $0xFFFFFF80, v27;
	v28 =	vadd.s32 v20, v28;
	v30 =	vld.idx.msk [tilespmem:v37+s11+$0x0], $0xffff  }
0x17a: {  	v34 =	vadd.s32 s31, v8;
	v27 =	vadd.s32 v20, v27;
	v35 =	vld.idx.msk [tilespmem:v37+s13+$0x0], $0xffff  }
0x17b: {  	v28 =	vor.u32 v29, v28;
	v29 =	vand.u32 $0xFFFFFF80, v31;
	v31 =	vand.u32 $0x7F, v31;
	v36 =	vld.idx.msk [tilespmem:v43+s11+$0x0], $0xffff  }
0x17c: {  	v26 =	vor.u32 v26, v27;
	v27 =	vand.u32 $0xFFFFFF80, v34;
	v34 =	vand.u32 $0x7F, v34;
	v37 =	vld.idx.msk [tilespmem:v43+s13+$0x0], $0xffff  }
0x17d: {  	v38 =	vadd.s32 s30, v9;
	v29 =	vadd.s32 v20, v29;
	v27 =	vadd.s32 v20, v27;
	v39 =	vld.idx.msk [tilespmem:v23+s11+$0x0], $0xffff  }
0x17e: {  	v40 =	vadd.s32 s31, v9;
	v29 =	vor.u32 v31, v29;
	v23 =	vld.idx.msk [tilespmem:v23+s13+$0x0], $0xffff  }
0x17f: {  	v42 =	vand.u32 $0x7F, v38;
	v27 =	vor.u32 v34, v27;
	v34 =	vand.u32 $0xFFFFFF80, v38;
	v41 =	vld.idx.msk [tilespmem:v25+s11+$0x0], $0xffff  }
0x180: {  	v31 =	vand.u32 $0xFFFFFF80, v40;
	v40 =	vand.u32 $0x7F, v40;
	v30 =	vmul.f32 v35, v30;
	v25 =	vld.idx.msk [tilespmem:v25+s13+$0x0], $0xffff  }
0x181: {  	v44 =	vadd.s32 s30, v10;
	v43 =	vadd.s32 v20, v34;
	v35 =	vadd.s32 v20, v31;
	v31 =	vld.idx.msk [tilespmem:v24+s11+$0x0], $0xffff  }
0x182: {  	s29 =	sadd.s32 $0x2, s29;
	v45 =	vadd.s32 s31, v10;
	v34 =	vld.idx.msk [tilespmem:v24+s13+$0x0], $0xffff;
	v24 =	vand.u32 $0x7F, v44  }
0x183: {  	p0 =	slt.u32 s29, $0x6;
	v42 =	vor.u32 v42, v43;
	v38 =	vmul.f32 v37, v36;
	v36 =	vand.u32 $0xFFFFFF80, v44;
	v46 =	vld.idx.msk [tilespmem:v22+s11+$0x0], $0xffff  }
0x184: {  	v40 =	vor.u32 v40, v35;
	v37 =	vand.u32 $0x7F, v45;
	v43 =	vld.idx.msk [tilespmem:v22+s13+$0x0], $0xffff;
	v22 =	vand.u32 $0xFFFFFF80, v45  }
0x185: {  	v44 =	vadd.s32 v20, v36;
	v45 =	vadd.s32 s30, v14;
	v22 =	vadd.s32 v20, v22;
	v35 =	vld.idx.msk [tilespmem:v28+s11+$0x0], $0xffff  }
0x186: {  	v47 =	vadd.s32 s31, v14;
	v36 =	vld.idx.msk [tilespmem:v28+s13+$0x0], $0xffff;
	v28 =	vor.u32 v24, v44  }
0x187: {  	v48 =	vor.u32 v37, v22;
	v24 =	vand.u32 $0xFFFFFF80, v45;
	v45 =	vand.u32 $0x7F, v45;
	v44 =	vld.idx.msk [tilespmem:v26+s11+$0x0], $0xffff  }
0x188: {  	v49 =	vand.u32 $0xFFFFFF80, v47;
	v47 =	vand.u32 $0x7F, v47;
	v37 =	vmul.f32 v23, v39;
	v26 =	vld.idx.msk [tilespmem:v26+s13+$0x0], $0xffff  }
0x189: {  	v41 =	vmul.f32 v25, v41;
	v25 =	vadd.s32 s30, v11;
	v24 =	vadd.s32 v20, v24;
	v22 =	vld.idx.msk [tilespmem:v29+s11+$0x0], $0xffff  }
0x18a: {  	v39 =	vadd.s32 v20, v49;
	v49 =	vadd.s32 s31, v11;
	v23 =	vld.idx.msk [tilespmem:v29+s13+$0x0], $0xffff  }
0x18b: {  	v50 =	vand.u32 $0xFFFFFF80, v25;
	v51 =	vand.u32 $0x7F, v25;
	v45 =	vor.u32 v45, v24;
	v29 =	vld.idx.msk [tilespmem:v27+s11+$0x0], $0xffff  }
0x18c: {  	v47 =	vor.u32 v47, v39;
	v25 =	vand.u32 $0xFFFFFF80, v49;
	v52 =	vld.idx.msk [tilespmem:v27+s13+$0x0], $0xffff;
	v27 =	vand.u32 $0x7F, v49  }
0x18d: {  	v39 =	vadd.s32 v20, v50;
	v43 =	vmul.f32 v43, v46;
	v46 =	vadd.s32 s30, v15;
	v24 =	vld.idx.msk [tilespmem:v42+s11+$0x0], $0xffff  }
0x18e: {  	v50 =	vadd.s32 s31, v15;
	v49 =	vadd.s32 v20, v25;
	v25 =	vld.idx.msk [tilespmem:v42+s13+$0x0], $0xffff  }
0x18f: {  	v39 =	vor.u32 v51, v39;
	v51 =	vand.u32 $0xFFFFFF80, v46;
	v46 =	vand.u32 $0x7F, v46;
	v42 =	vld.idx.msk [tilespmem:v40+s11+$0x0], $0xffff  }
0x190: {  	v49 =	vor.u32 v27, v49;
	v27 =	vand.u32 $0xFFFFFF80, v50;
	v50 =	vand.u32 $0x7F, v50;
	v40 =	vld.idx.msk [tilespmem:v40+s13+$0x0], $0xffff  }
0x191: {  	v53 =	vadd.s32 s30, v16;
	v51 =	vadd.s32 v20, v51;
	v44 =	vmul.f32 v26, v44;
	v26 =	vld.idx.msk [tilespmem:v28+s11+$0x0], $0xffff  }
0x192: {  	v55 =	vadd.s32 s31, v16;
	v54 =	vadd.s32 v20, v27;
	v27 =	vld.idx.msk [tilespmem:v28+s13+$0x0], $0xffff  }
0x193: {  	v46 =	vor.u32 v46, v51;
	v51 =	vand.u32 $0xFFFFFF80, v53;
	v53 =	vand.u32 $0x7F, v53;
	v56 =	vld.idx.msk [tilespmem:v48+s11+$0x0], $0xffff  }
0x194: {  	v50 =	vor.u32 v50, v54;
	v54 =	vand.u32 $0xFFFFFF80, v55;
	v55 =	vand.u32 $0x7F, v55;
	v48 =	vld.idx.msk [tilespmem:v48+s13+$0x0], $0xffff  }
0x195: {  	v57 =	vadd.s32 s30, v17;
	v51 =	vadd.s32 v20, v51;
	v52 =	vmul.f32 v52, v29;
	v28 =	vld.idx.msk [tilespmem:v45+s11+$0x0], $0xffff  }
0x196: {  	v58 =	vadd.s32 s31, v17;
	v54 =	vadd.s32 v20, v54;
	v29 =	vld.idx.msk [tilespmem:v45+s13+$0x0], $0xffff  }
0x197: {  	v51 =	vor.u32 v53, v51;
	v53 =	vand.u32 $0xFFFFFF80, v57;
	v57 =	vand.u32 $0x7F, v57;
	v45 =	vld.idx.msk [tilespmem:v47+s11+$0x0], $0xffff  }
0x198: {  	v54 =	vor.u32 v55, v54;
	v55 =	vand.u32 $0xFFFFFF80, v58;
	v58 =	vand.u32 $0x7F, v58;
	v47 =	vld.idx.msk [tilespmem:v47+s13+$0x0], $0xffff  }
0x199: {  	v60 =	vadd.s32 s31, v18;
	v55 =	vadd.s32 v20, v55;
	v59 =	vld.idx.msk [tilespmem:v49+s11+$0x0], $0xffff  }
0x19a: {  	v55 =	vor.u32 v58, v55;
	v58 =	vand.u32 $0xFFFFFF80, v60;
	v60 =	vand.u32 $0x7F, v60;
	v49 =	vld.idx.msk [tilespmem:v49+s13+$0x0], $0xffff  }
0x19b: {  	v62 =	vadd.s32 s31, v19;
	v58 =	vadd.s32 v20, v58;
	v61 =	vld.idx.msk [tilespmem:v50+s11+$0x0], $0xffff  }
0x19c: {  	v58 =	vor.u32 v60, v58;
	v60 =	vand.u32 $0xFFFFFF80, v62;
	v62 =	vand.u32 $0x7F, v62;
	v50 =	vld.idx.msk [tilespmem:v50+s13+$0x0], $0xffff  }
0x19d: {  	v3 =	vadd.s32 s31, v12;
	v60 =	vadd.s32 v20, v60;
	v2 =	vld.idx.msk [tilespmem:v54+s11+$0x0], $0xffff  }
0x19e: {  	v53 =	vadd.s32 v20, v53;
	v60 =	vor.u32 v62, v60;
	v62 =	vand.u32 $0xFFFFFF80, v3;
	v54 =	vld.idx.msk [tilespmem:v54+s13+$0x0], $0xffff  }
0x19f: {  	v1 =	vadd.s32 s31, v6;
	v3 =	vand.u32 $0x7F, v3;
	v62 =	vadd.s32 v20, v62;
	v0 =	vld.idx.msk [tilespmem:v55+s11+$0x0], $0xffff  }
0x1a0: {  	v4 =	vadd.s32 s30, v18;
	v3 =	vor.u32 v3, v62;
	v62 =	vand.u32 $0xFFFFFF80, v1;
	v55 =	vld.idx.msk [tilespmem:v55+s13+$0x0], $0xffff  }
0x1a1: {  	v40 =	vmul.f32 v40, v42;
	v1 =	vand.u32 $0x7F, v1;
	v62 =	vadd.s32 v20, v62;
	v42 =	vld.idx.msk [tilespmem:v58+s11+$0x0], $0xffff  }
0x1a2: {  	v32 =	vadd.f32 v38, v32;
	v33 =	vadd.f32 v41, v33;
	v1 =	vor.u32 v1, v62;
	v38 =	vld.idx.msk [tilespmem:v58+s13+$0x0], $0xffff  }
0x1a3: {  	v53 =	vor.u32 v57, v53;
	v57 =	vand.u32 $0xFFFFFF80, v4;
	v4 =	vand.u32 $0x7F, v4;
	v41 =	vld.idx.msk [tilespmem:v60+s11+$0x0], $0xffff  }
0x1a4: {  	v32 =	vadd.f32 v43, v32;
	v33 =	vadd.f32 v44, v33;
	v44 =	vadd.s32 v20, v57;
	v43 =	vld.idx.msk [tilespmem:v60+s13+$0x0], $0xffff  }
0x1a5: {  	v4 =	vor.u32 v4, v44;
	v44 =	vadd.s32 s30, v19;
	v48 =	vmul.f32 v48, v56;
	v56 =	vld.idx.msk [tilespmem:v3+s11+$0x0], $0xffff  }
0x1a6: {  	v32 =	vadd.f32 v52, v32;
	v33 =	vadd.f32 v40, v33;
	v40 =	vmul.f32 v47, v45;
	v3 =	vld.idx.msk [tilespmem:v3+s13+$0x0], $0xffff  }
0x1a7: {  	v45 =	vmul.f32 v49, v59;
	v49 =	vand.u32 $0xFFFFFF80, v44;
	v44 =	vand.u32 $0x7F, v44;
	v47 =	vld.idx.msk [tilespmem:v1+s11+$0x0], $0xffff  }
0x1a8: {  	v48 =	vadd.f32 v48, v32;
	v33 =	vadd.f32 v40, v33;
	v40 =	vmul.f32 v50, v61;
	v1 =	vld.idx.msk [tilespmem:v1+s13+$0x0], $0xffff  }
0x1a9: {  	v49 =	vadd.s32 v20, v49;
	v50 =	vadd.s32 s30, v12;
	v2 =	vmul.f32 v54, v2;
	v32 =	vld.idx.msk [tilespmem:v39+s11+$0x0], $0xffff  }
0x1aa: {  	v45 =	vadd.f32 v45, v48;
	v33 =	vadd.f32 v40, v33;
	v0 =	vmul.f32 v55, v0;
	v39 =	vld.idx.msk [tilespmem:v39+s13+$0x0], $0xffff  }
0x1ab: {  	v48 =	vand.u32 $0xFFFFFF80, v50;
	v50 =	vand.u32 $0x7F, v50;
	v42 =	vmul.f32 v38, v42;
	v38 =	vld.idx.msk [tilespmem:v46+s11+$0x0], $0xffff  }
0x1ac: {  	v2 =	vadd.f32 v2, v45;
	v0 =	vadd.f32 v0, v33;
	v33 =	vmul.f32 v43, v41;
	v40 =	vld.idx.msk [tilespmem:v46+s13+$0x0], $0xffff  }
0x1ad: {  	v43 =	vor.u32 v44, v49;
	v44 =	vadd.s32 v20, v48;
	v3 =	vmul.f32 v3, v56;
	v41 =	vld.idx.msk [tilespmem:v51+s11+$0x0], $0xffff  }
.Ltmp2:
0x1ae: {  	v2 =	vadd.f32 v42, v2;
	v0 =	vadd.f32 v33, v0;
	v1 =	vmul.f32 v1, v47;
	v42 =	vld.idx.msk [tilespmem:v51+s13+$0x0], $0xffff;
	(pc) =	sbr.rel @p0 .LBB2_4-.Ltmp2, $4  }
0x1af: {  	v45 =	vmul.f32 v34, v31;
	v44 =	vor.u32 v50, v44;
	v47 =	vadd.s32 s30, v6;
	v31 =	vld.idx.msk [tilespmem:v53+s11+$0x0], $0xffff  }
0x1b0: {  	v2 =	vadd.f32 v3, v2;
	v0 =	vadd.f32 v1, v0;
	v1 =	vand.u32 $0xFFFFFF80, v47;
	v33 =	vld.idx.msk [tilespmem:v53+s13+$0x0], $0xffff  }
0x1b1: {  	v46 =	vmul.f32 v36, v35;
	v3 =	vand.u32 $0x7F, v47;
	v1 =	vadd.s32 v20, v1;
	v34 =	vld.idx.msk [tilespmem:v4+s11+$0x0], $0xffff  }
0x1b2: {  	s30 =	sadd.s32 $0x20, s30;
	v47 =	vadd.f32 v30, v2;
	v36 =	vadd.f32 v37, v0;
	v35 =	vor.u32 v3, v1;
	v30 =	vld.idx.msk [tilespmem:v4+s13+$0x0], $0xffff  }
0x1b3: {  	_ =	sdelay $0x2  }
0x1b4: {  	[tilespmem:$0x1FBD0] =	vst v6;
	v0 =	vmul.f32 v23, v22  }
0x1b5: {  	v4 =	vmul.f32 v25, v24;
	v1 =	vld.idx.msk [tilespmem:v43+s11+$0x0], $0xffff;
	v2 =	vadd.f32 v45, v47;
	v3 =	vadd.f32 v46, v36  }
0x1b6: {  	v21 =	vmul.f32 v27, v26;
	v20 =	vld.idx.msk [tilespmem:v43+s13+$0x0], $0xffff  }
0x1b7: {  	v57 =	vld.idx.msk [tilespmem:v44+s11+$0x0], $0xffff;
	v0 =	vadd.f32 v0, v2;
	v2 =	vadd.f32 v4, v3;
	v3 =	vmul.f32 v29, v28  }
0x1b8: {  	v58 =	vmul.f32 v39, v32;
	v59 =	vld.idx.msk [tilespmem:v35+s11+$0x0], $0xffff  }
0x1b9: {  	v4 =	vld.idx.msk [tilespmem:v44+s13+$0x0], $0xffff;
	v0 =	vadd.f32 v21, v0;
	v2 =	vadd.f32 v3, v2;
	v3 =	vmul.f32 v40, v38  }
0x1ba: {  	v61 =	vmul.f32 v42, v41;
	v60 =	vld.idx.msk [tilespmem:v35+s13+$0x0], $0xffff  }
0x1bb: {  	v0 =	vadd.f32 v58, v0;
	v2 =	vadd.f32 v3, v2;
	v3 =	vmul.f32 v33, v31  }
0x1bc: {  	v62 =	vmul.f32 v30, v34  }
0x1bd: {  	v1 =	vmul.f32 v20, v1;
	v0 =	vadd.f32 v61, v0;
	v2 =	vadd.f32 v3, v2  }
0x1be: {  	v3 =	vmul.f32 v4, v57  }
0x1bf: {  	v0 =	vadd.f32 v62, v0;
	v1 =	vadd.f32 v1, v2;
	v2 =	vmul.f32 v60, v59;
	_ =	sdelay $0x1  }
0x1c0: {  	v0 =	vadd.f32 v3, v0;
	v1 =	vadd.f32 v2, v1;
	_ =	sdelay $0x1  }
0x1c1: {  	v0 =	vadd.f32 v1, v0;
	_ =	sdelay $0x1  }
0x1c2: {  	v0 =	vsub.f32 $0.0e+00, v0;
	_ =	sdelay $0x1  }
0x1c3: {  	v0 =	vmul.f32 $1.442695020e+00, v0;
	_ =	sdelay $0x1  }
0x1c4: {  	(erf) = vpow2.f32 v0;
	_ =	sdelay $0x8  }
0x1c5: {  	v0 =	vpop (erf)  }
0x1c6: {  	v0 =	vadd.f32 $1.000000000e+00, v0;
	_ =	sdelay $0x1  }
0x1c7: {  	(erf) = vrcp.f32 v0;
	_ =	sdelay $0x1  }
0x1c8: {  	v1 =	vld [tilespmem:$0x1FBE0];
	_ =	sdelay $0x1  }
0x1c9: {  	s26 =	sadd.s32 $0x1, s26  }
0x1ca: {  	p0 =	sne.s32 s26, $0x4  }
.Ltmp3:
0x1cb: {  	_ = 	snop;
	(pc) =	sbr.rel @p0 .LBB2_3-.Ltmp3, $3  }
0x1cc: {  	_ =	sdelay $0x1  }
0x1cd: {  	s28 =	sand.u32 $0x3FFFFFF0, s28;
	v0 =	vpop (erf)  }
0x1ce: {  	[tilespmem:v1+s28+$0x0 ss:$0x1] =	vst.idx.msk $0xffff, v0;
	v1 =	vlaneseq.u32  }
0x1cf: {  	p0 =	seq.s32 s24, $0x3  }
0x1d0: {  	s26 =	sadd.s32 @!p0 $0x10080, s25;
	s28 =	simm.s32 @!p0 $0x40;
	s29 =	simm.s32 @!p0 $0x10400  }
0x1d1: {  	[tilespmem:s29], [sflag:$0x1] =	stream.indirect.gather @!p0 [hbm4b:s0+s28], $0x80, s26, s28, $0xb8;
	[tilespmem:$0x18600] =	vst v63  }
0x1d2: {  	s26 =	sadd.s32 @!p0 $0x10280, s25;
	s29 =	simm.s32 @!p0 $0x14400  }
0x1d3: {  	[tilespmem:s29], [sflag:$0x3] =	stream.indirect.gather @!p0 [hbm4b:s1+s28], $0x80, s26, s28, $0xb8;
	[tilespmem:$0x18600] =	vst v63  }
0x1d4: {  	_ =	swait.ge [sflag:s20], $0x2000  }
0x1d5: {  	[sflag:s20] =	ssyncset.done $0x0  }
0x1d6: {  	[sflag:s20] =	ssyncadd.s32 $0xFFFFE000  }
0x1d7: {  	_ =	swait.ge [sflag:s21], $0x2000  }
0x1d8: {  	[tilespmem:$0x1FB60] =	vst v5  }
0x1d9: {  	[tilespmem:$0x1FB70] =	vst v7  }
0x1da: {  	[tilespmem:$0x1FB80] =	vst v8  }
0x1db: {  	[tilespmem:$0x1FB90] =	vst v9  }
0x1dc: {  	[tilespmem:$0x1FBA0] =	vst v10  }
0x1dd: {  	[sflag:s21] =	ssyncset.done $0x0;
	[tilespmem:$0x1FBB0] =	vst v11  }
0x1de: {  	s26 =	simm.s32 $0x0;
	v21 =	vld [tilespmem:$0x1FBD0];
	[tilespmem:$0x1FBC0] =	vst v12;
	[sflag:s21] =	ssyncadd.s32 $0xFFFFE000  }
.LBB2_7:
0x1df: {  	s28 =	sshll.u32 s26, $0x4;
	s29 =	simm.s32 $0x10  }
0x1e0: {  	v0 =	vmov s28;
	v52 =	vadd.s32 s29, v12;
	v53 =	vadd.s32 s29, v18  }
0x1e1: {  	s30 =	simm.s32 $0x0;
	v2 =	vadd.s32 s29, v16;
	v3 =	vadd.s32 s29, v11;
	v23 =	vadd.s32 s29, v10  }
0x1e2: {  	v26 =	vadd.s32 s29, v8;
	v27 =	vadd.s32 s29, v13;
	v55 =	vadd.s32 s30, v12  }
0x1e3: {  	v56 =	vadd.s32 s30, v18;
	v57 =	vadd.s32 s30, v16;
	v41 =	vadd.s32 s30, v8  }
0x1e4: {  	v44 =	vadd.s32 s30, v5;
	v46 =	vadd.s32 s30, v7;
	v49 =	vadd.s32 s30, v9  }
0x1e5: {  	v51 =	vadd.s32 s30, v14;
	v0 =	vshll.u32 v0, $0x7;
	v22 =	vand.u32 $0xFFFFFF80, v52  }
0x1e6: {  	v25 =	vand.u32 $0xFFFFFF80, v53;
	v54 =	vand.u32 $0xFFFFFF80, v23;
	v20 =	vor.u32 v63, v0  }
0x1e7: {  	v23 =	vand.u32 $0x7F, v23;
	v29 =	vand.u32 $0xFFFFFF80, v57;
	v6 =	vor.u32 v1, v20  }
0x1e8: {  	v43 =	vand.u32 $0xFFFFFF80, v41;
	v41 =	vand.u32 $0x7F, v41;
	v4 =	vor.u32 s29, v6  }
0x1e9: {  	v45 =	vand.u32 $0xFFFFFF80, v44;
	v44 =	vand.u32 $0x7F, v44;
	v8 =	vand.u32 $0xFFFFFF80, v51  }
0x1ea: {  	v51 =	vand.u32 $0x7F, v51;
	v0 =	vand.u32 $0x7F, v52;
	v24 =	vor.u32 s30, v6  }
0x1eb: {  	v63 =	vand.u32 $0xFFFFFF80, v46;
	v46 =	vand.u32 $0x7F, v46;
	v22 =	vadd.s32 v20, v22  }
0x1ec: {  	v1 =	vand.u32 $0x7F, v53;
	v45 =	vadd.s32 v20, v45;
	[tilespmem:$0x1FB50] =	vst v6;
	v0 =	vor.u32 v0, v22  }
0x1ed: {  	v30 =	vadd.s32 v20, v29;
	v43 =	vadd.s32 v20, v43;
	v44 =	vor.u32 v44, v45;
	v36 =	vld.idx.msk [tilespmem:v4+s15+$0x0], $0xffff  }
0x1ee: {  	v22 =	vadd.s32 v20, v25;
	v25 =	vand.u32 $0xFFFFFF80, v2;
	v2 =	vand.u32 $0x7F, v2;
	v37 =	vld.idx.msk [tilespmem:v4+s17+$0x0], $0xffff  }
0x1ef: {  	v1 =	vor.u32 v1, v22;
	v22 =	vadd.s32 v20, v25;
	v25 =	vand.u32 $0xFFFFFF80, v3;
	v39 =	vld.idx.msk [tilespmem:v24+s15+$0x0], $0xffff  }
0x1f0: {  	v3 =	vand.u32 $0x7F, v3;
	v2 =	vor.u32 v2, v22;
	v22 =	vadd.s32 v20, v25;
	v40 =	vld.idx.msk [tilespmem:v24+s17+$0x0], $0xffff  }
0x1f1: {  	v45 =	vadd.s32 v20, v63;
	v6 =	vand.u32 $0xFFFFFF80, v49;
	v3 =	vor.u32 v3, v22;
	v22 =	vld.idx.msk [tilespmem:v0+s15+$0x0], $0xffff  }
0x1f2: {  	v49 =	vand.u32 $0x7F, v49;
	v45 =	vor.u32 v46, v45;
	v4 =	vadd.s32 v20, v54;
	v54 =	vld.idx.msk [tilespmem:v44+s15+$0x0], $0xffff  }
0x1f3: {  	v46 =	vadd.s32 v20, v6;
	v25 =	vand.u32 $0x7F, v26;
	v24 =	vand.u32 $0xFFFFFF80, v26;
	v44 =	vld.idx.msk [tilespmem:v44+s17+$0x0], $0xffff  }
0x1f4: {  	v4 =	vor.u32 v23, v4;
	v26 =	vadd.s32 v20, v24;
	v24 =	vand.u32 $0xFFFFFF80, v27;
	v23 =	vld.idx.msk [tilespmem:v0+s17+$0x0], $0xffff  }
0x1f5: {  	v41 =	vor.u32 v41, v43;
	v46 =	vor.u32 v49, v46;
	v28 =	vadd.s32 v20, v24;
	v24 =	vld.idx.msk [tilespmem:v1+s15+$0x0], $0xffff  }
0x1f6: {  	v27 =	vand.u32 $0x7F, v27;
	v33 =	vor.u32 v25, v26;
	v26 =	vand.u32 $0xFFFFFF80, v55;
	v25 =	vld.idx.msk [tilespmem:v1+s17+$0x0], $0xffff  }
0x1f7: {  	v49 =	vadd.s32 v20, v8;
	v35 =	vor.u32 v27, v28;
	v27 =	vadd.s32 v20, v26;
	v26 =	vld.idx.msk [tilespmem:v2+s15+$0x0], $0xffff  }
0x1f8: {  	v53 =	vadd.s32 s30, v15;
	v49 =	vor.u32 v51, v49;
	v0 =	vand.u32 $0x7F, v55;
	v29 =	vld.idx.msk [tilespmem:v3+s17+$0x0], $0xffff  }
0x1f9: {  	v55 =	vand.u32 $0xFFFFFF80, v53;
	v28 =	vand.u32 $0xFFFFFF80, v56;
	v38 =	vor.u32 v0, v27;
	v27 =	vld.idx.msk [tilespmem:v2+s17+$0x0], $0xffff  }
0x1fa: {  	v53 =	vand.u32 $0x7F, v53;
	v55 =	vadd.s32 v20, v55;
	v58 =	vadd.s32 v20, v28;
	v28 =	vld.idx.msk [tilespmem:v3+s15+$0x0], $0xffff  }
0x1fb: {  	v51 =	vor.u32 v53, v55;
	v55 =	vld.idx.msk [tilespmem:v41+s15+$0x0], $0xffff  }
0x1fc: {  	v1 =	vand.u32 $0x7F, v56;
	v41 =	vld.idx.msk [tilespmem:v41+s17+$0x0], $0xffff  }
0x1fd: {  	v56 =	vadd.s32 s30, v17;
	v1 =	vor.u32 v1, v58;
	v58 =	vld.idx.msk [tilespmem:v45+s15+$0x0], $0xffff  }
0x1fe: {  	v60 =	vadd.s32 s30, v10;
	v10 =	vand.u32 $0xFFFFFF80, v56;
	v45 =	vld.idx.msk [tilespmem:v45+s17+$0x0], $0xffff  }
0x1ff: {  	v53 =	vadd.s32 v20, v10;
	v10 =	vld.idx.msk [tilespmem:v49+s15+$0x0], $0xffff  }
0x200: {  	v31 =	vadd.s32 s30, v11;
	v42 =	vadd.s32 s30, v13;
	v0 =	vand.u32 $0x7F, v57;
	v49 =	vld.idx.msk [tilespmem:v49+s17+$0x0], $0xffff  }
0x201: {  	v59 =	vand.u32 $0xFFFFFF80, v31;
	v32 =	vand.u32 $0x7F, v31;
	v0 =	vor.u32 v0, v30;
	v30 =	vld.idx.msk [tilespmem:v4+s15+$0x0], $0xffff  }
0x202: {  	v61 =	vand.u32 $0xFFFFFF80, v60;
	v62 =	vand.u32 $0xFFFFFF80, v42;
	v2 =	vadd.s32 v20, v59;
	v31 =	vld.idx.msk [tilespmem:v4+s17+$0x0], $0xffff  }
0x203: {  	v3 =	vand.u32 $0x7F, v60;
	v2 =	vor.u32 v32, v2;
	v4 =	vadd.s32 v20, v61;
	v32 =	vld.idx.msk [tilespmem:v33+s15+$0x0], $0xffff  }
0x204: {  	v3 =	vor.u32 v3, v4;
	v4 =	vadd.s32 v20, v62;
	v62 =	vld.idx.msk [tilespmem:v46+s15+$0x0], $0xffff  }
0x205: {  	v42 =	vand.u32 $0x7F, v42;
	v46 =	vld.idx.msk [tilespmem:v46+s17+$0x0], $0xffff  }
0x206: {  	v4 =	vor.u32 v42, v4;
	v42 =	vld.idx.msk [tilespmem:v38+s15+$0x0], $0xffff  }
0x207: {  	v38 =	vld.idx.msk [tilespmem:v38+s17+$0x0], $0xffff  }
0x208: {  	v63 =	vimm.f32 $0.0e+00;
	v6 =	vadd.s32 s29, v5;
	v47 =	vld.idx.msk [tilespmem:v1+s15+$0x0], $0xffff  }
0x209: {  	v8 =	vand.u32 $0xFFFFFF80, v6;
	v57 =	vadd.s32 s30, v19;
	v56 =	vand.u32 $0x7F, v56;
	v48 =	vld.idx.msk [tilespmem:v0+s15+$0x0], $0xffff  }
0x20a: {  	v60 =	vadd.s32 s30, v21;
	v11 =	vand.u32 $0xFFFFFF80, v57;
	v39 =	vmul.f32 v40, v39;
	v43 =	vld.idx.msk [tilespmem:v2+s15+$0x0], $0xffff  }
0x20b: {  	v57 =	vand.u32 $0x7F, v57;
	v44 =	vmul.f32 v44, v54;
	v40 =	vand.u32 $0x7F, v60;
	v2 =	vld.idx.msk [tilespmem:v2+s17+$0x0], $0xffff  }
0x20c: {  	v53 =	vor.u32 v56, v53;
	v56 =	vadd.s32 v20, v11;
	v61 =	vand.u32 $0xFFFFFF80, v60;
	v0 =	vld.idx.msk [tilespmem:v0+s17+$0x0], $0xffff  }
0x20d: {  	v11 =	vadd.s32 s29, v7;
	v56 =	vor.u32 v57, v56;
	v54 =	vadd.s32 v20, v61;
	v1 =	vld.idx.msk [tilespmem:v1+s17+$0x0], $0xffff  }
0x20e: {  	v39 =	vadd.f32 v39, v63;
	v44 =	vadd.f32 v44, v63;
	v60 =	vand.u32 $0xFFFFFF80, v11;
	v52 =	vld.idx.msk [tilespmem:v4+s15+$0x0], $0xffff  }
0x20f: {  	v61 =	vand.u32 $0x7F, v11;
	v63 =	vadd.s32 s29, v9;
	v45 =	vmul.f32 v45, v58;
	v4 =	vld.idx.msk [tilespmem:v4+s17+$0x0], $0xffff  }
0x210: {  	v40 =	vor.u32 v40, v54;
	v54 =	vand.u32 $0x7F, v6;
	v9 =	vand.u32 $0xFFFFFF80, v63;
	v50 =	vld.idx.msk [tilespmem:v3+s15+$0x0], $0xffff  }
0x211: {  	v41 =	vmul.f32 v41, v55;
	v3 =	vld.idx.msk [tilespmem:v3+s17+$0x0], $0xffff;
	v59 =	vadd.f32 v45, v44;
	v44 =	vadd.s32 v20, v60  }
0x212: {  	v33 =	vld.idx.msk [tilespmem:v33+s17+$0x0], $0xffff;
	v10 =	vmul.f32 v49, v10;
	v46 =	vmul.f32 v46, v62;
	v45 =	vor.u32 v61, v44  }
0x213: {  	v34 =	vld.idx.msk [tilespmem:v35+s15+$0x0], $0xffff;
	v44 =	vand.u32 $0x7F, v63;
	v38 =	vmul.f32 v38, v42;
	v2 =	vmul.f32 v2, v43  }
0x214: {  	v62 =	vld.idx.msk [tilespmem:v51+s15+$0x0], $0xffff;
	v61 =	vadd.s32 s29, v15;
	v0 =	vmul.f32 v0, v48;
	v4 =	vmul.f32 v4, v52  }
0x215: {  	v1 =	vmul.f32 v1, v47;
	v47 =	vmul.f32 v37, v36;
	v52 =	vadd.s32 v20, v8;
	v8 =	vld.idx.msk [tilespmem:v51+s17+$0x0], $0xffff  }
0x216: {  	v11 =	vld.idx.msk [tilespmem:v53+s15+$0x0], $0xffff;
	v3 =	vmul.f32 v3, v50;
	v51 =	vadd.s32 s29, v14;
	v4 =	vadd.f32 v4, v39  }
0x217: {  	v55 =	vld.idx.msk [tilespmem:v53+s17+$0x0], $0xffff;
	v52 =	vor.u32 v54, v52;
	v58 =	vand.u32 $0xFFFFFF80, v51;
	v39 =	vadd.f32 v46, v59  }
0x218: {  	v60 =	vld.idx.msk [tilespmem:v56+s15+$0x0], $0xffff;
	v43 =	vand.u32 $0x7F, v51;
	v4 =	vadd.f32 v41, v4;
	v41 =	vadd.s32 v20, v9  }
0x219: {  	v57 =	vadd.f32 v10, v39;
	v39 =	vadd.s32 v20, v58;
	v9 =	vld.idx.msk [tilespmem:v40+s15+$0x0], $0xffff;
	v10 =	vadd.s32 s29, v17  }
0x21a: {  	v40 =	vld.idx.msk [tilespmem:v40+s17+$0x0], $0xffff;
	v41 =	vor.u32 v44, v41;
	v59 =	vmul.f32 v8, v62;
	v39 =	vor.u32 v43, v39  }
0x21b: {  	v62 =	vld.idx.msk [tilespmem:v56+s17+$0x0], $0xffff;
	v8 =	vand.u32 $0xFFFFFF80, v61;
	v43 =	vand.u32 $0x7F, v61;
	v3 =	vadd.f32 v3, v4  }
0x21c: {  	v35 =	vld.idx.msk [tilespmem:v35+s17+$0x0], $0xffff;
	v44 =	vmul.f32 v55, v11;
	v11 =	vand.u32 $0xFFFFFF80, v10;
	v4 =	vadd.s32 v20, v8  }
0x21d: {  	v54 =	vld.idx.msk [tilespmem:v52+s15+$0x0], $0xffff;
	v63 =	vadd.f32 v59, v57;
	v57 =	vadd.s32 s29, v19;
	v2 =	vadd.f32 v2, v3  }
0x21e: {  	v56 =	vld.idx.msk [tilespmem:v52+s17+$0x0], $0xffff;
	v43 =	vor.u32 v43, v4;
	v4 =	vand.u32 $0x7F, v10;
	v59 =	vand.u32 $0xFFFFFF80, v57  }
0x21f: {  	v46 =	vld.idx.msk [tilespmem:v45+s17+$0x0], $0xffff;
	v3 =	vadd.f32 v44, v63;
	v61 =	vmul.f32 v40, v9;
	v0 =	vadd.f32 v0, v2  }
0x220: {  	v44 =	vld.idx.msk [tilespmem:v45+s15+$0x0], $0xffff;
	v55 =	vmul.f32 v62, v60;
	v2 =	vadd.s32 v20, v11;
	v60 =	vand.u32 $0x7F, v57  }
0x221: {  	v45 =	vld.idx.msk [tilespmem:v41+s15+$0x0], $0xffff;
	v62 =	vadd.s32 s29, v21;
	v42 =	vor.u32 v4, v2;
	v0 =	vadd.f32 v1, v0  }
0x222: {  	v41 =	vld.idx.msk [tilespmem:v41+s17+$0x0], $0xffff;
	v2 =	vadd.s32 v20, v59;
	v63 =	vand.u32 $0xFFFFFF80, v62;
	v58 =	vadd.f32 v55, v3  }
0x223: {  	v50 =	vmul.f32 v56, v54;
	v37 =	vand.u32 $0x7F, v62;
	v40 =	vadd.f32 v38, v0;
	v38 =	vld.idx.msk [tilespmem:v39+s15+$0x0], $0xffff  }
0x224: {  	s30 =	simm.s32 $0x30;
	s29 =	simm.s32 $0x0;
	v36 =	vor.u32 v60, v2;
	v49 =	vadd.s32 v20, v63;
	v48 =	vadd.f32 v61, v58;
	v39 =	vld.idx.msk [tilespmem:v39+s17+$0x0], $0xffff  }
.LBB2_8:
0x225: {  	v11 =	vld [tilespmem:$0x1FBC0]  }
0x226: {  	v2 =	vld.idx.msk [tilespmem:v43+s15+$0x0], $0xffff  }
0x227: {  	v51 =	vld.idx.msk [tilespmem:v43+s17+$0x0], $0xffff  }
0x228: {  	v1 =	vmul.f32 v35, v34;
	v52 =	vld.idx.msk [tilespmem:v42+s15+$0x0], $0xffff  }
0x229: {  	v3 =	vor.u32 v37, v49;
	v32 =	vmul.f32 v33, v32;
	v55 =	vld.idx.msk [tilespmem:v42+s17+$0x0], $0xffff;
	v56 =	vadd.s32 s30, v16  }
0x22a: {  	v30 =	vmul.f32 v31, v30;
	v31 =	vld.idx.msk [tilespmem:v36+s15+$0x0], $0xffff;
	v28 =	vmul.f32 v29, v28;
	v4 =	vadd.f32 v47, v40  }
0x22b: {  	v10 =	vld [tilespmem:$0x1FBB0];
	v26 =	vmul.f32 v27, v26;
	v35 =	vadd.s32 s30, v13;
	v40 =	vadd.s32 s30, v18  }
0x22c: {  	v5 =	vld [tilespmem:$0x1FB50];
	v49 =	vadd.f32 v50, v48;
	v61 =	vand.u32 $0xFFFFFF80, v40;
	v1 =	vadd.f32 v1, v4  }
0x22d: {  	v58 =	vld.idx.msk [tilespmem:v36+s17+$0x0], $0xffff;
	v33 =	vadd.s32 v20, v61;
	v50 =	vmul.f32 v46, v44;
	v54 =	vmul.f32 v41, v45  }
0x22e: {  	v7 =	vld [tilespmem:$0x1FB80];
	v47 =	vadd.s32 s30, v21;
	v57 =	vmul.f32 v39, v38;
	v24 =	vmul.f32 v25, v24  }
0x22f: {  	v22 =	vmul.f32 v23, v22;
	v0 =	vadd.s32 s30, v11;
	v1 =	vadd.f32 v32, v1;
	v29 =	vld.idx.msk [tilespmem:v3+s15+$0x0], $0xffff  }
0x230: {  	v39 =	vadd.s32 s30, v10;
	v2 =	vmul.f32 v51, v2;
	v3 =	vld.idx.msk [tilespmem:v3+s17+$0x0], $0xffff;
	v53 =	vadd.f32 v50, v49  }
0x231: {  	s31 =	sadd.s32 $0xFFFFFFF0, s30;
	v59 =	vmul.f32 v55, v52;
	v27 =	vor.u32 s30, v5;
	v1 =	vadd.f32 v30, v1  }
0x232: {  	v9 =	vld [tilespmem:$0x1FB90];
	v60 =	vmul.f32 v58, v31;
	v25 =	vor.u32 s31, v5;
	v4 =	vadd.f32 v54, v53  }
0x233: {  	v63 =	vadd.s32 s30, v7;
	v32 =	vand.u32 $0x7F, v40;
	v1 =	vadd.f32 v28, v1  }
0x234: {  	v54 =	vadd.s32 s31, v18;
	v28 =	vand.u32 $0xFFFFFF80, v35;
	v4 =	vadd.f32 v57, v4  }
0x235: {  	v8 =	vld [tilespmem:$0x1FBA0];
	v3 =	vmul.f32 v3, v29;
	v57 =	vadd.s32 s31, v16;
	v1 =	vadd.f32 v26, v1  }
0x236: {  	v6 =	vld [tilespmem:$0x1FB70];
	v26 =	vand.u32 $0xFFFFFF80, v0;
	v0 =	vand.u32 $0x7F, v0;
	v2 =	vadd.f32 v2, v4  }
0x237: {  	v21 =	vld [tilespmem:$0x1FBD0];
	v23 =	vadd.s32 v20, v26;
	v4 =	vadd.s32 s30, v9;
	v1 =	vadd.f32 v24, v1  }
0x238: {  	v5 =	vld [tilespmem:$0x1FB60];
	v26 =	vand.u32 $0xFFFFFF80, v63;
	v0 =	vor.u32 v0, v23;
	v2 =	vadd.f32 v59, v2  }
0x239: {  	v62 =	vld.idx.msk [tilespmem:v27+s15+$0x0], $0xffff;
	v23 =	vand.u32 $0x7F, v56;
	v51 =	vadd.s32 v20, v26;
	v43 =	vadd.f32 v22, v1  }
0x23a: {  	v34 =	vld.idx.msk [tilespmem:v27+s17+$0x0], $0xffff;
	v22 =	vand.u32 $0xFFFFFF80, v56;
	v1 =	vand.u32 $0x7F, v63;
	v2 =	vadd.f32 v60, v2  }
0x23b: {  	v46 =	vld.idx.msk [tilespmem:v25+s15+$0x0], $0xffff;
	v22 =	vadd.s32 v20, v22;
	v1 =	vor.u32 v1, v51;
	v60 =	vand.u32 $0xFFFFFF80, v57  }
0x23c: {  	v48 =	vld.idx.msk [tilespmem:v25+s17+$0x0], $0xffff;
	v27 =	vor.u32 v23, v22;
	v44 =	vadd.f32 v3, v2;
	v3 =	vand.u32 $0x7F, v35  }
0x23d: {  	v40 =	vld.idx.msk [tilespmem:v0+s15+$0x0], $0xffff;
	v35 =	vadd.s32 v20, v60;
	v60 =	vand.u32 $0x7F, v4;
	v4 =	vand.u32 $0xFFFFFF80, v4  }
0x23e: {  	v24 =	vand.u32 $0xFFFFFF80, v39;
	[tilespmem:$0x1FAF0] =	vst v62;
	v2 =	vor.u32 v32, v33;
	v0 =	vld.idx.msk [tilespmem:v0+s17+$0x0], $0xffff;
	v4 =	vadd.s32 v20, v4  }
0x23f: {  	v24 =	vadd.s32 v20, v24;
	v56 =	vand.u32 $0xFFFFFF80, v54;
	v4 =	vor.u32 v60, v4;
	v60 =	vld [tilespmem:$0x1FAF0]  }
0x240: {  	v59 =	vand.u32 $0x7F, v54;
	v23 =	vand.u32 $0x7F, v39;
	v33 =	vadd.s32 v20, v56;
	v32 =	vld.idx.msk [tilespmem:v1+s15+$0x0], $0xffff  }
0x241: {  	v30 =	vadd.s32 s30, v8;
	v29 =	vor.u32 v23, v24;
	v54 =	vor.u32 v59, v33;
	v33 =	vld.idx.msk [tilespmem:v1+s17+$0x0], $0xffff  }
0x242: {  	v41 =	vand.u32 $0x7F, v30;
	v25 =	vand.u32 $0xFFFFFF80, v30;
	v30 =	vadd.s32 v20, v28;
	v39 =	vld.idx.msk [tilespmem:v27+s17+$0x0], $0xffff  }
0x243: {  	v42 =	vadd.s32 s30, v19;
	v25 =	vadd.s32 v20, v25;
	v3 =	vor.u32 v3, v30;
	v12 =	vld.idx.msk [tilespmem:v2+s15+$0x0], $0xffff  }
0x244: {  	v45 =	vadd.s32 s30, v17;
	v52 =	vadd.s32 s31, v11;
	[tilespmem:$0x1FB40] =	vst v0;
	v0 =	vor.u32 v41, v25;
	v2 =	vld.idx.msk [tilespmem:v2+s17+$0x0], $0xffff  }
0x245: {  	v37 =	vand.u32 $0x7F, v47;
	v61 =	vadd.s32 s31, v10;
	v31 =	vand.u32 $0xFFFFFF80, v52;
	v41 =	vld.idx.msk [tilespmem:v27+s15+$0x0], $0xffff  }
0x246: {  	v49 =	vadd.s32 s30, v15;
	v50 =	vand.u32 $0x7F, v42;
	v31 =	vadd.s32 v20, v31;
	v36 =	vld.idx.msk [tilespmem:v29+s15+$0x0], $0xffff  }
0x247: {  	[tilespmem:$0x1FB10] =	vst v50;
	v50 =	vand.u32 $0xFFFFFF80, v49;
	v53 =	vadd.s32 s30, v14;
	v62 =	vand.u32 $0xFFFFFF80, v61;
	v38 =	vld.idx.msk [tilespmem:v29+s17+$0x0], $0xffff  }
0x248: {  	v21 =	vadd.s32 s31, v21;
	[tilespmem:$0x1FB00] =	vst v34;
	v51 =	vadd.s32 v20, v62;
	v1 =	vand.u32 $0x7F, v61;
	v34 =	vld.idx.msk [tilespmem:v3+s15+$0x0], $0xffff  }
0x249: {  	v63 =	vadd.s32 s31, v8;
	v26 =	vmovc v16;
	v16 =	vadd.s32 s31, v17;
	v1 =	vor.u32 v1, v51;
	v30 =	vld.idx.msk [tilespmem:v0+s15+$0x0], $0xffff  }
0x24a: {  	v56 =	vand.u32 $0xFFFFFF80, v53;
	[tilespmem:$0x1FAD0] =	vst v2;
	v2 =	vand.u32 $0x7F, v52;
	v52 =	vand.u32 $0x7F, v53;
	v53 =	vld.idx.msk [tilespmem:v54+s15+$0x0], $0xffff  }
0x24b: {  	v27 =	vmovc v17;
	v17 =	vadd.s32 s31, v19;
	v29 =	vmovc v19;
	v19 =	vand.u32 $0x7F, v21;
	v21 =	vand.u32 $0xFFFFFF80, v21;
	v54 =	vld.idx.msk [tilespmem:v54+s17+$0x0], $0xffff  }
0x24c: {  	v21 =	vadd.s32 v20, v21;
	v2 =	vor.u32 v2, v31;
	v31 =	vld.idx.msk [tilespmem:v0+s17+$0x0], $0xffff;
	v0 =	vand.u32 $0x7F, v57  }
0x24d: {  	v61 =	vadd.s32 s31, v13;
	v19 =	vor.u32 v19, v21;
	v0 =	vor.u32 v0, v35;
	v35 =	vld.idx.msk [tilespmem:v3+s17+$0x0], $0xffff  }
0x24e: {  	[tilespmem:$0x1FB30] =	vst v12;
	v12 =	vand.u32 $0xFFFFFF80, v47;
	v57 =	vand.u32 $0xFFFFFF80, v63;
	v3 =	vand.u32 $0x7F, v63;
	v63 =	vld.idx.msk [tilespmem:v1+s15+$0x0], $0xffff  }
0x24f: {  	[tilespmem:$0x1FB20] =	vst v12;
	v12 =	vand.u32 $0xFFFFFF80, v42;
	v42 =	vand.u32 $0x7F, v45;
	v45 =	vand.u32 $0xFFFFFF80, v45;
	v1 =	vld.idx.msk [tilespmem:v1+s17+$0x0], $0xffff  }
0x250: {  	v57 =	vadd.s32 v20, v57;
	v53 =	vmul.f32 v54, v53;
	v54 =	vadd.s32 v20, v45;
	v45 =	vld.idx.msk [tilespmem:v4+s15+$0x0], $0xffff  }
0x251: {  	v62 =	vand.u32 $0xFFFFFF80, v61;
	v47 =	vand.u32 $0x7F, v49;
	v3 =	vor.u32 v3, v57;
	v49 =	vld.idx.msk [tilespmem:v2+s15+$0x0], $0xffff  }
0x252: {  	v58 =	vadd.s32 s30, v6;
	v61 =	vand.u32 $0x7F, v61;
	v62 =	vadd.s32 v20, v62;
	v51 =	vld.idx.msk [tilespmem:v2+s17+$0x0], $0xffff  }
0x253: {  	v6 =	vadd.s32 s31, v6;
	v8 =	vadd.s32 s31, v7;
	v61 =	vor.u32 v61, v62;
	v57 =	vld.idx.msk [tilespmem:v0+s15+$0x0], $0xffff  }
0x254: {  	v11 =	vand.u32 $0xFFFFFF80, v6;
	v10 =	vadd.s32 s31, v5;
	v59 =	vand.u32 $0xFFFFFF80, v8;
	v0 =	vld.idx.msk [tilespmem:v0+s17+$0x0], $0xffff  }
0x255: {  	v59 =	vadd.s32 v20, v59;
	v2 =	vand.u32 $0x7F, v8;
	v1 =	vmul.f32 v1, v63;
	v63 =	vld.idx.msk [tilespmem:v19+s17+$0x0], $0xffff  }
0x256: {  	v55 =	vadd.s32 s30, v5;
	v5 =	vand.u32 $0xFFFFFF80, v10;
	v2 =	vor.u32 v2, v59;
	v7 =	vld.idx.msk [tilespmem:v3+s15+$0x0], $0xffff  }
0x257: {  	v5 =	vadd.s32 v20, v5;
	v59 =	vand.u32 $0x7F, v10;
	v10 =	vand.u32 $0x7F, v55;
	v3 =	vld.idx.msk [tilespmem:v3+s17+$0x0], $0xffff  }
0x258: {  	v55 =	vand.u32 $0xFFFFFF80, v55;
	v5 =	vor.u32 v59, v5;
	v59 =	vadd.s32 v20, v11;
	v11 =	vld.idx.msk [tilespmem:v61+s15+$0x0], $0xffff  }
0x259: {  	v6 =	vand.u32 $0x7F, v6;
	v9 =	vadd.s32 s31, v9;
	v61 =	vld.idx.msk [tilespmem:v61+s17+$0x0], $0xffff;
	v21 =	vadd.s32 v20, v55  }
0x25a: {  	v6 =	vor.u32 v6, v59;
	v59 =	vand.u32 $0xFFFFFF80, v9;
	v10 =	vor.u32 v10, v21;
	v21 =	vld [tilespmem:$0x1FBD0]  }
0x25b: {  	[tilespmem:$0x1FAE0] =	vst v12;
	v12 =	vadd.s32 s31, v14;
	v9 =	vand.u32 $0x7F, v9;
	v59 =	vadd.s32 v20, v59;
	v8 =	vld.idx.msk [tilespmem:v2+s15+$0x0], $0xffff  }
0x25c: {  	v9 =	vor.u32 v9, v59;
	v59 =	vand.u32 $0xFFFFFF80, v12;
	v2 =	vld.idx.msk [tilespmem:v2+s17+$0x0], $0xffff  }
0x25d: {  	v24 =	vmovc v14;
	v23 =	vmovc v13;
	v14 =	vadd.s32 s31, v15;
	v12 =	vand.u32 $0x7F, v12;
	v59 =	vadd.s32 v20, v59;
	v13 =	vld.idx.msk [tilespmem:v5+s15+$0x0], $0xffff  }
0x25e: {  	v5 =	vld.idx.msk [tilespmem:v5+s17+$0x0], $0xffff;
	v12 =	vor.u32 v12, v59;
	v59 =	vand.u32 $0xFFFFFF80, v14  }
0x25f: {  	v25 =	vmov v15;
	v14 =	vand.u32 $0x7F, v14;
	v15 =	vld.idx.msk [tilespmem:v6+s15+$0x0], $0xffff;
	v59 =	vadd.s32 v20, v59  }
0x260: {  	v6 =	vld.idx.msk [tilespmem:v6+s17+$0x0], $0xffff;
	v14 =	vor.u32 v14, v59;
	v59 =	vand.u32 $0xFFFFFF80, v16  }
0x261: {  	v28 =	vmov v18;
	v16 =	vand.u32 $0x7F, v16;
	v18 =	vld.idx.msk [tilespmem:v9+s15+$0x0], $0xffff;
	v59 =	vadd.s32 v20, v59  }
0x262: {  	v9 =	vld.idx.msk [tilespmem:v9+s17+$0x0], $0xffff;
	v16 =	vor.u32 v16, v59  }
0x263: {  	v59 =	vand.u32 $0xFFFFFF80, v17;
	v22 =	vld.idx.msk [tilespmem:v12+s15+$0x0], $0xffff  }
0x264: {  	v17 =	vand.u32 $0x7F, v17;
	v59 =	vadd.s32 v20, v59;
	v12 =	vld.idx.msk [tilespmem:v12+s17+$0x0], $0xffff  }
0x265: {  	v46 =	vmul.f32 v48, v46;
	v5 =	vmul.f32 v5, v13;
	v13 =	vor.u32 v17, v59;
	v17 =	vld.idx.msk [tilespmem:v14+s15+$0x0], $0xffff  }
0x266: {  	v14 =	vld.idx.msk [tilespmem:v14+s17+$0x0], $0xffff  }
0x267: {  	v43 =	vadd.f32 v46, v43;
	v46 =	vld.idx.msk [tilespmem:v16+s15+$0x0], $0xffff  }
0x268: {  	v62 =	vand.u32 $0x7F, v58;
	v58 =	vand.u32 $0xFFFFFF80, v58;
	v11 =	vmul.f32 v61, v11;
	v55 =	vld.idx.msk [tilespmem:v16+s17+$0x0], $0xffff  }
0x269: {  	v6 =	vmul.f32 v6, v15;
	v15 =	vadd.s32 v20, v58;
	v16 =	vmovc v26;
	v26 =	vmov v41;
	v41 =	vld.idx.msk [tilespmem:v4+s17+$0x0], $0xffff  }
0x26a: {  	v5 =	vadd.f32 v5, v44;
	v15 =	vor.u32 v62, v15;
	v58 =	vmul.f32 v12, v22;
	v12 =	vld.idx.msk [tilespmem:v19+s15+$0x0], $0xffff  }
0x26b: {  	v3 =	vmul.f32 v3, v7;
	v11 =	vadd.f32 v11, v43;
	v7 =	vld.idx.msk [tilespmem:v13+s15+$0x0], $0xffff  }
0x26c: {  	v2 =	vmul.f32 v2, v8;
	v48 =	vmul.f32 v9, v18;
	v5 =	vadd.f32 v6, v5;
	v59 =	vld.idx.msk [tilespmem:v13+s17+$0x0], $0xffff  }
0x26d: {  	v13 =	vadd.s32 v20, v56;
	v62 =	vmul.f32 v14, v17;
	v14 =	vld.idx.msk [tilespmem:v10+s15+$0x0], $0xffff  }
0x26e: {  	v2 =	vadd.f32 v2, v11;
	v5 =	vadd.f32 v48, v5;
	v13 =	vor.u32 v52, v13;
	v52 =	vld.idx.msk [tilespmem:v10+s17+$0x0], $0xffff  }
0x26f: {  	v44 =	vld.idx.msk [tilespmem:v15+s15+$0x0], $0xffff  }
0x270: {  	v2 =	vadd.f32 v3, v2;
	v61 =	vadd.f32 v58, v5;
	v58 =	vld [tilespmem:$0x1FAE0]  }
0x271: {  	v22 =	vmov v40;
	v40 =	vadd.s32 v20, v50;
	v50 =	vmul.f32 v55, v46;
	v46 =	vld.idx.msk [tilespmem:v15+s17+$0x0], $0xffff  }
0x272: {  	v0 =	vmul.f32 v0, v57;
	v1 =	vadd.f32 v1, v2;
	v48 =	vadd.f32 v62, v61;
	v61 =	vld [tilespmem:$0x1FB00]  }
0x273: {  	s29 =	sadd.s32 $0x2, s29;
	v42 =	vor.u32 v42, v54;
	v62 =	vld [tilespmem:$0x1FB10]  }
0x274: {  	p1 =	slt.u32 s29, $0x6;
	v0 =	vadd.f32 v0, v1;
	v56 =	vmul.f32 v59, v7;
	v59 =	vmul.f32 v63, v12;
	v63 =	vld [tilespmem:$0x1FB20]  }
.Ltmp4:
0x275: {  	v57 =	vmul.f32 v51, v49;
	v18 =	vmovc v28;
	v28 =	vmovc v36;
	v15 =	vmov v25;
	v25 =	vld [tilespmem:$0x1FAD0];
	v55 =	vadd.f32 v50, v48;
	(pc) =	sbr.rel @p1 .LBB2_8-.Ltmp4, $4  }
0x276: {  	v19 =	vmovc v29;
	v29 =	vmov v38;
	v43 =	vor.u32 v47, v40;
	v0 =	vadd.f32 v53, v0;
	v38 =	vld.idx.msk [tilespmem:v13+s15+$0x0], $0xffff  }
0x277: {  	v17 =	vmovc v27;
	v27 =	vmovc v39;
	v50 =	vmul.f32 v52, v14;
	v14 =	vmov v24;
	v24 =	vld [tilespmem:$0x1FB30];
	v1 =	vadd.f32 v56, v55  }
0x278: {  	v40 =	vadd.f32 v57, v0;
	v39 =	vld.idx.msk [tilespmem:v13+s17+$0x0], $0xffff;
	v7 =	vadd.s32 v20, v58;
	v47 =	vmul.f32 v61, v60  }
0x279: {  	s30 =	sadd.s32 $0x20, s30;
	v13 =	vmovc v23;
	v23 =	vld [tilespmem:$0x1FB40];
	v36 =	vor.u32 v62, v7;
	v49 =	vadd.s32 v20, v63;
	v48 =	vadd.f32 v59, v1  }
0x27a: {  	_ =	sdelay $0x2  }
0x27b: {  	v0 =	vmul.f32 v35, v34  }
0x27c: {  	v1 =	vld.idx.msk [tilespmem:v43+s15+$0x0], $0xffff;
	v2 =	vadd.f32 v47, v40;
	v4 =	vmul.f32 v46, v44;
	v3 =	vadd.f32 v50, v48  }
0x27d: {  	v5 =	vor.u32 v37, v49;
	v6 =	vld.idx.msk [tilespmem:v43+s17+$0x0], $0xffff;
	v7 =	vmul.f32 v33, v32  }
0x27e: {  	v8 =	vld.idx.msk [tilespmem:v42+s15+$0x0], $0xffff;
	v0 =	vadd.f32 v0, v2;
	v2 =	vadd.f32 v4, v3;
	v3 =	vmul.f32 v41, v45  }
0x27f: {  	v9 =	vmul.f32 v31, v30;
	v4 =	vld.idx.msk [tilespmem:v42+s17+$0x0], $0xffff  }
0x280: {  	v10 =	vld.idx.msk [tilespmem:v36+s15+$0x0], $0xffff;
	v0 =	vadd.f32 v7, v0;
	v2 =	vadd.f32 v3, v2;
	v3 =	vmul.f32 v39, v38  }
0x281: {  	v11 =	vmul.f32 v29, v28;
	v7 =	vld.idx.msk [tilespmem:v36+s17+$0x0], $0xffff  }
0x282: {  	v12 =	vld.idx.msk [tilespmem:v5+s15+$0x0], $0xffff;
	v1 =	vmul.f32 v6, v1;
	v0 =	vadd.f32 v9, v0;
	v2 =	vadd.f32 v3, v2  }
0x283: {  	v3 =	vld.idx.msk [tilespmem:v5+s17+$0x0], $0xffff;
	v5 =	vmul.f32 v27, v26  }
0x284: {  	v0 =	vadd.f32 v11, v0;
	v1 =	vadd.f32 v1, v2;
	v2 =	vmul.f32 v4, v8  }
0x285: {  	v4 =	vmul.f32 v25, v24  }
0x286: {  	v0 =	vadd.f32 v5, v0;
	v1 =	vadd.f32 v2, v1;
	v2 =	vmul.f32 v7, v10  }
0x287: {  	v5 =	vmul.f32 v23, v22  }
0x288: {  	v0 =	vadd.f32 v4, v0;
	v1 =	vadd.f32 v2, v1;
	v2 =	vmul.f32 v3, v12;
	_ =	sdelay $0x1  }
0x289: {  	v0 =	vadd.f32 v5, v0;
	v1 =	vadd.f32 v2, v1;
	_ =	sdelay $0x1  }
0x28a: {  	v0 =	vadd.f32 v1, v0;
	_ =	sdelay $0x1  }
0x28b: {  	v0 =	vsub.f32 $0.0e+00, v0;
	_ =	sdelay $0x1  }
0x28c: {  	v0 =	vmul.f32 $1.442695020e+00, v0;
	_ =	sdelay $0x1  }
0x28d: {  	(erf) = vpow2.f32 v0;
	_ =	sdelay $0x8  }
0x28e: {  	v0 =	vpop (erf)  }
0x28f: {  	v0 =	vadd.f32 $1.000000000e+00, v0;
	_ =	sdelay $0x1  }
0x290: {  	(erf) = vrcp.f32 v0;
	_ =	sdelay $0x1  }
0x291: {  	v1 =	vld [tilespmem:$0x1FBE0]  }
0x292: {  	v63 =	vld [tilespmem:$0x1FFF0]  }
0x293: {  	s26 =	sadd.s32 $0x1, s26;
	v9 =	vld [tilespmem:$0x1FB90]  }
0x294: {  	p1 =	sne.s32 s26, $0x4;
	v11 =	vld [tilespmem:$0x1FBB0]  }
.Ltmp5:
0x295: {  	v8 =	vld [tilespmem:$0x1FB80];
	(pc) =	sbr.rel @p1 .LBB2_7-.Ltmp5, $4  }
0x296: {  	v12 =	vld [tilespmem:$0x1FBC0]  }
0x297: {  	v10 =	vld [tilespmem:$0x1FBA0]  }
0x298: {  	s28 =	sand.u32 $0x3FFFFFF0, s28;
	v7 =	vld [tilespmem:$0x1FB70];
	v0 =	vpop (erf)  }
0x299: {  	v5 =	vld [tilespmem:$0x1FB60];
	[tilespmem:v1+s28+$0x40 ss:$0x1] =	vst.idx.msk $0xffff, v0;
	v1 =	vlaneseq.u32  }
.Ltmp6:
0x29a: {  	(pc) =	sbr.rel @p0 .LBB2_12-.Ltmp6, $1  }
0x29b: {  	_ =	sdelay $0x3  }
.Ltmp7:
0x29c: {  	(pc) =	sbr.rel .LBB2_2-.Ltmp7, $4  }
0x29d: {  	s26 =	sadd.s32 $0x100C0, s25  }
0x29e: {  	[tilespmem:s15], [sflag:$0x2] =	stream.indirect.gather [hbm4b:s0+s9], $0x80, s26, s9, $0xb8;
	[tilespmem:$0x18600] =	vst v63  }
0x29f: {  	s31 =	sadd.s32 $0x102C0, s25;
	s24 =	sadd.s32 $0x1, s24  }
0x2a0: {  	[tilespmem:s17], [sflag:$0x4] =	stream.indirect.gather [hbm4b:s1+s9], $0x80, s31, s9, $0xb8;
	[tilespmem:$0x18600] =	vst v63  }
.LBB2_13:
0x2a1: {  	_ =	sfence.sel $0x180000  }
0x2a2: {  	[bflag:$0x0] =	sbarrier.arrive $0xFFFF  }
0x2a3: {  	p0 =	sne.s32 s3, $0x0;
	_ =	strace $0x90000047  }
0x2a4: {  	s0 =	sadd.s32 @!p0 $0x100000, s2;
	[bflag:$0x2] =	sbarrier.arrive $0xFFFF  }
0x2a5: {  	[sflag:s0] =	ssyncadd.tile.s32 @!p0 $0x1;
	_ =	shalt  }
.Lfunc_end2:
_tile_overlayer_lowered:
.L_overlay_start_2:
0x2a6: {  	(tag) =	ssettag $0x2  }
0x2a7: {  	s0 =	rddreg [dreg:$0x0];
	s2 =	stileid.u32  }
0x2a8: {  	s1 =	rddreg [dreg:$0x1];
	p0 =	sne.s32 s2, $0x0  }
0x2a9: {  	s3 =	rddreg [dreg:$0x2];
	[bflag:$0x3] =	sbarrier.arrive $0xFFFF;
	s2 =	simm.s32 @!p0 $0x1C05  }
0x2aa: {  	[timem:s3], [sflag:s2] =	dma.local @!p0 [hbm:s0], s1  }
0x2ab: {  	s0 =	simm.s32 @!p0 $0x5  }
0x2ac: {  	_ =	swait.ge @!p0 [sflag:s0], s1  }
0x2ad: {  	s1 =	ssub.s32 @!p0 $0x0, s1;
	[sflag:s0] =	ssyncset.done @!p0 $0x0  }
0x2ae: {  	[sflag:s0] =	ssyncadd.s32 @!p0 s1  }
0x2af: {  	[bflag:$0x3] =	sbarrier.arrive $0xFFFF  }
0x2b0: {  	_ =	shalt  }

</sc_bundles>
